<compile_context>
chip_gen: v7x
topology: tpu7x:2x2x1
jax: 0.10.2.dev20260603
libtpu: 0.0.44.dev20260713+nightly
codegen_flags: <defaults>
</compile_context>

<pallas_src>
import functools

import jax
import jax.numpy as jnp
from jax import lax
from jax.experimental import pallas as pl
from jax.experimental.pallas import tpu as pltpu
from jax.experimental.pallas import tpu_sc as plsc

NC, NS = 2, 16
NW = NC * NS


def _mlp_pre_kernel(x_ref, w1at_ref, w1bt_ref, b1_ref, t_ref, e_ref,
                    a_ref, u_ref, te_ref):
    xb = x_ref[...]
    a_ref[...] = jnp.dot(xb, w1at_ref[...],
                         preferred_element_type=jnp.float32) + b1_ref[...]
    u_ref[...] = jnp.dot(xb, w1bt_ref[...],
                         preferred_element_type=jnp.float32)
    te_ref[...] = t_ref[...] - e_ref[...]


def _mlp_main_kernel(br, k, ug_ref, ag_ref, w2t_ref, b2_ref, w3t_ref, b3_ref,
                     out_ref):
    bp = br * k
    h = ag_ref[...]
    h = jnp.broadcast_to(h[:, None, :], (br, k, h.shape[-1]))
    h = jnp.reshape(h, (bp, h.shape[-1]))
    h1 = jnp.maximum(h + ug_ref[...], 0.0)
    h2 = jnp.dot(h1, w2t_ref[...],
                 preferred_element_type=jnp.float32) + b2_ref[...]
    h2 = jnp.maximum(h2, 0.0)
    mlp = jnp.dot(h2, w3t_ref[...],
                  preferred_element_type=jnp.float32) + b3_ref[0, 0]
    out_ref[...] = mlp


def _softmax_kernel(mlp_ref, te_ref, diag_ref, b_ref, vals_ref, yp_ref):
    m = mlp_ref[...]
    am = b_ref[0, 0] * jnp.abs(m)
    mx = jnp.max(am, axis=1, keepdims=True)
    e = jnp.exp(am - mx)
    s = jnp.sum(e, axis=1, keepdims=True)
    v = m * (e / s)
    yp_ref[...] = jnp.sum(te_ref[...] * v, axis=1, keepdims=True)
    vals_ref[...] = v * diag_ref[...]


def kernel(x, one_hop_neighbors, treat_binary, ehat, b, W1, b1, W2, b2, W3, b3):
    n, d = x.shape
    R, kp1 = one_hop_neighbors.shape
    K = kp1 - 1
    H = W1.shape[0]
    P = R * K

    cur = one_hop_neighbors[:, 0]
    chosen = one_hop_neighbors[:, 1:]
    chosen_flat = chosen.reshape(-1)

    W1aT = W1[:, :d].T
    W1bT = W1[:, d:].T
    W2T = W2.T
    W3T = W3.T
    b1r = b1.reshape(1, H)
    b2r = b2.reshape(1, H)
    b3r = b3.reshape(1, 1)
    br_ = jnp.asarray(b, jnp.float32).reshape(1, 1)

    BR1 = 2000
    a_all, u_all, te_all = pl.pallas_call(
        _mlp_pre_kernel,
        grid=(n // BR1,),
        in_specs=[
            pl.BlockSpec((BR1, d), lambda i: (i, 0)),
            pl.BlockSpec((d, H), lambda i: (0, 0)),
            pl.BlockSpec((d, H), lambda i: (0, 0)),
            pl.BlockSpec((1, H), lambda i: (0, 0)),
            pl.BlockSpec((BR1, 1), lambda i: (i, 0)),
            pl.BlockSpec((BR1, 1), lambda i: (i, 0)),
        ],
        out_specs=[
            pl.BlockSpec((BR1, H), lambda i: (i, 0)),
            pl.BlockSpec((BR1, H), lambda i: (i, 0)),
            pl.BlockSpec((BR1, 1), lambda i: (i, 0)),
        ],
        out_shape=[
            jax.ShapeDtypeStruct((n, H), jnp.float32),
            jax.ShapeDtypeStruct((n, H), jnp.float32),
            jax.ShapeDtypeStruct((n, 1), jnp.float32),
        ],
    )(x, W1aT, W1bT, b1r, treat_binary.reshape(n, 1), ehat.reshape(n, 1))
    te_flat = te_all.reshape(n)

    PPW = P // NW
    CPW = -(-R // (NW * 8)) * 8
    RP = CPW * NW
    cur_pad = jnp.concatenate([cur, jnp.zeros((RP - R,), jnp.int32)])

    CH = 320
    n_full, rem = PPW // CH, PPW % CH
    nch = n_full + (1 if rem else 0)

    mesh = plsc.VectorSubcoreMesh(core_axis_name="c", subcore_axis_name="s")

    @functools.partial(
        pl.kernel, mesh=mesh,
        out_type=[
            jax.ShapeDtypeStruct((RP, H), jnp.float32),
            jax.ShapeDtypeStruct((P, H), jnp.float32),
            jax.ShapeDtypeStruct((P,), jnp.float32),
        ],
        scratch_types=[
            pltpu.VMEM((PPW,), jnp.int32),
            pltpu.VMEM((CPW,), jnp.int32),
            pltpu.VMEM((CH, H), jnp.float32),
            pltpu.VMEM((CH, H), jnp.float32),
            pltpu.VMEM((PPW,), jnp.float32),
            pltpu.SemaphoreType.DMA,
            pltpu.SemaphoreType.DMA,
            pltpu.SemaphoreType.DMA,
            pltpu.SemaphoreType.DMA,
            pltpu.SemaphoreType.DMA,
            pltpu.SemaphoreType.DMA,
        ],
    )
    def gather_k(a_hbm, u_hbm, te_hbm, curp_hbm, cf_hbm,
                 ag_hbm, ug_hbm, teg_hbm,
                 cidx_v, curidx_v, rows_v, rows2_v, teb_v,
                 sem_te, sem_a, sem_g0, sem_g1, sem_w0, sem_w1):
        wid = lax.axis_index("s") * NC + lax.axis_index("c")
        pbase = wid * PPW
        pltpu.sync_copy(cf_hbm.at[pl.ds(pbase, PPW)], cidx_v)
        te_cp = pltpu.async_copy(te_hbm.at[cidx_v], teb_v, sem_te)
        bufs = (rows_v, rows2_v)
        gsems = (sem_g0, sem_g1)
        wsems = (sem_w0, sem_w1)
        gcp = [None, None]
        wcp = [None, None]
        for c in range(nch):
            bi = c & 1
            off = c * CH
            ch = CH if c < n_full else rem
            if wcp[bi] is not None:
                wcp[bi].wait()
                wcp[bi] = None
            gcp[bi] = pltpu.async_copy(u_hbm.at[cidx_v.at[pl.ds(off, ch)]],
                                       bufs[bi].at[pl.ds(0, ch)], gsems[bi])
            pi = 1 - bi
            if gcp[pi] is not None:
                gcp[pi].wait()
                gcp[pi] = None
                wcp[pi] = pltpu.async_copy(
                    bufs[pi].at[pl.ds(0, CH)],
                    ug_hbm.at[pl.ds(pbase + (c - 1) * CH, CH)], wsems[pi])
        li = (nch - 1) & 1
        lch = CH if rem == 0 else rem
        gcp[li].wait()
        wcp[li] = pltpu.async_copy(bufs[li].at[pl.ds(0, lch)],
                                   ug_hbm.at[pl.ds(pbase + (nch - 1) * CH, lch)],
                                   wsems[li])
        for bi_ in (0, 1):
            if wcp[bi_] is not None:
                wcp[bi_].wait()
        cbase = wid * CPW
        pltpu.sync_copy(curp_hbm.at[pl.ds(cbase, CPW)], curidx_v)
        pltpu.async_copy(a_hbm.at[curidx_v],
                         rows_v.at[pl.ds(0, CPW)], sem_a).wait()
        pltpu.sync_copy(rows_v.at[pl.ds(0, CPW)],
                        ag_hbm.at[pl.ds(cbase, CPW)])
        te_cp.wait()
        pltpu.sync_copy(teb_v, teg_hbm.at[pl.ds(pbase, PPW)])

    ag_pad, ug, teg = gather_k(a_all, u_all, te_flat, cur_pad, chosen_flat)

    BR3 = 400
    BP3 = BR3 * K
    mlp_flat = pl.pallas_call(
        functools.partial(_mlp_main_kernel, BR3, K),
        grid=(P // BP3,),
        in_specs=[
            pl.BlockSpec((BP3, H), lambda i: (i, 0)),
            pl.BlockSpec((BR3, H), lambda i: (i, 0)),
            pl.BlockSpec((H, H), lambda i: (0, 0)),
            pl.BlockSpec((1, H), lambda i: (0, 0)),
            pl.BlockSpec((H, 1), lambda i: (0, 0)),
            pl.BlockSpec((1, 1), lambda i: (0, 0), memory_space=pltpu.SMEM),
        ],
        out_specs=pl.BlockSpec((BP3, 1), lambda i: (i, 0)),
        out_shape=jax.ShapeDtypeStruct((P, 1), jnp.float32),
    )(ug, ag_pad, W2T, b2r, W3T, b3r)

    BR4 = 1000
    is_diag = (chosen != cur[:, None]).astype(jnp.float32)
    vals, ypred = pl.pallas_call(
        _softmax_kernel,
        grid=(R // BR4,),
        in_specs=[
            pl.BlockSpec((BR4, K), lambda i: (i, 0)),
            pl.BlockSpec((BR4, K), lambda i: (i, 0)),
            pl.BlockSpec((BR4, K), lambda i: (i, 0)),
            pl.BlockSpec((1, 1), lambda i: (0, 0), memory_space=pltpu.SMEM),
        ],
        out_specs=[
            pl.BlockSpec((BR4, K), lambda i: (i, 0)),
            pl.BlockSpec((BR4, 1), lambda i: (i, 0)),
        ],
        out_shape=[
            jax.ShapeDtypeStruct((R, K), jnp.float32),
            jax.ShapeDtypeStruct((R, 1), jnp.float32),
        ],
    )(mlp_flat.reshape(R, K), teg.reshape(R, K), is_diag, br_)
    Y_pred = ypred.reshape(R)

    idx_pairs = (cur[:, None] * n + chosen).reshape(-1)
    UPW = P // NW
    @functools.partial(
        pl.kernel, mesh=mesh, out_type=[],
        scratch_types=[
            pltpu.VMEM((UPW,), jnp.int32),
            pltpu.VMEM((UPW,), jnp.float32),
            pltpu.SemaphoreType.DMA,
        ],
    )
    def scatter_k(idx_hbm, val_hbm, pw_hbm, idx_v, val_v, sem):
        wid = lax.axis_index("s") * NC + lax.axis_index("c")
        base = wid * UPW
        pltpu.sync_copy(idx_hbm.at[pl.ds(base, UPW)], idx_v)
        pltpu.sync_copy(val_hbm.at[pl.ds(base, UPW)], val_v)
        pltpu.async_copy(val_v, pw_hbm.at[idx_v], sem).wait()

    pw_ref = jax.new_ref(jnp.zeros((n * n,), jnp.float32))
    scatter_k(idx_pairs, vals.reshape(-1), pw_ref)
    pairwise = jax.freeze(pw_ref).reshape(n, n)

    return (Y_pred, pairwise)

# --- scband reference (transcript-rebuilt; emitter-appended) ---
"""Pipeline reference for scband-gcnwith-attention-sign-28157805592584 (READ-ONLY COPY).

The authoritative reference and input builder live on the scoring server;
editing this copy changes nothing except your own understanding.
"""

import jax, jax.numpy as jnp
import numpy as np


def _linear_params(key, fan_in, fan_out):
    k1, k2 = jax.random.split(key)
    s = 1.0 / np.sqrt(fan_in)
    W = jax.random.uniform(k1, (fan_out, fan_in), minval=-s, maxval=s, dtype=jnp.float32)
    bb = jax.random.uniform(k2, (fan_out,), minval=-s, maxval=s, dtype=jnp.float32)
    return W, bb


def setup_inputs(seed: int = 0) -> dict:
    key = jax.random.key(seed)
    n, d, hidden, deg = 10000, 128, 128, 16
    ks = jax.random.split(key, 8)
    x = jax.random.normal(ks[0], (n, d), dtype=jnp.float32)
    one_hop_neighbors = jax.random.randint(ks[1], (n, deg + 1), 0, n, dtype=jnp.int32)
    treat_binary = jax.random.uniform(ks[2], (n,), dtype=jnp.float32)
    ehat = jax.random.uniform(ks[3], (n,), dtype=jnp.float32)
    W1, b1 = _linear_params(ks[4], 2 * d, hidden)
    W2, b2 = _linear_params(ks[5], hidden, hidden)
    W3, b3 = _linear_params(ks[6], hidden, 1)
    b = jnp.float32(1.0)
    return {"x": x, "one_hop_neighbors": one_hop_neighbors, "treat_binary": treat_binary,
            "ehat": ehat, "b": b, "W1": W1, "b1": b1, "W2": W2, "b2": b2, "W3": W3, "b3": b3}


def reference(x, one_hop_neighbors, treat_binary, ehat, b, W1, b1, W2, b2, W3, b3):
    # Vectorized, faithful translation of the per-row torch loop.
    n, d = x.shape
    cur = one_hop_neighbors[:, 0]          # [R] 'current' node per row
    chosen = one_hop_neighbors[:, 1:]      # [R, K] neighbor indices
    R, K = chosen.shape
    z_i = jnp.take(x, cur, axis=0)         # [R, d]  gather
    z_j = jnp.take(x, chosen.reshape(-1), axis=0).reshape(R, K, d)  # [R, K, d] gather
    z_concat = jnp.concatenate([jnp.broadcast_to(z_i[:, None, :], (R, K, d)), z_j], axis=-1)  # [R, K, 2d]
    h = jax.nn.relu(z_concat @ W1.T + b1)
    h = jax.nn.relu(h @ W2.T + b2)
    mlp_neigh = (h @ W3.T + b3)[..., 0]    # [R, K]
    scores = jax.nn.softmax(b * jnp.abs(mlp_neigh), axis=1)  # softmax over each row's neighbors
    prop_res = jnp.take(treat_binary, chosen.reshape(-1)).reshape(R, K) - jnp.take(ehat, chosen.reshape(-1)).reshape(R, K)
    Y_pred = jnp.sum(prop_res * mlp_neigh * scores, axis=1)  # [R]
    pairwise_w_ij = jnp.zeros((n, n), dtype=x.dtype)
    pairwise_w_ij = pairwise_w_ij.at[cur[:, None], chosen].set(mlp_neigh * scores)  # scatter-overwrite
    pairwise_w_ij = pairwise_w_ij.at[cur, cur].set(0.0)  # diagonal zeroed after, as in torch
    return (Y_pred, pairwise_w_ij)

if __name__ == "__main__":
    import jax
    _d = setup_inputs()
    print(jax.jit(kernel)(*tuple(_d.values())))

</pallas_src>

<mosaic_0001>
#map = affine_map<(d0, d1) -> (0, 0)>
#map1 = affine_map<(d0, d1) -> (0)>
module attributes {stable_mosaic.version = 14 : i64} {
  func.func @gather_k(%arg0: i32, %arg1: i32, %arg2: memref<10000x128xf32, #tpu.memory_space<hbm>>, %arg3: memref<10000x128xf32, #tpu.memory_space<hbm>>, %arg4: memref<10000xf32, #tpu.memory_space<hbm>>, %arg5: memref<10240xi32, #tpu.memory_space<hbm>>, %arg6: memref<160000xi32, #tpu.memory_space<hbm>>, %arg7: memref<10240x128xf32, #tpu.memory_space<hbm>>, %arg8: memref<160000x128xf32, #tpu.memory_space<hbm>>, %arg9: memref<160000xf32, #tpu.memory_space<hbm>>, %arg10: memref<5000xi32, #tpu.memory_space<vmem>>, %arg11: memref<320xi32, #tpu.memory_space<vmem>>, %arg12: memref<320x128xf32, #tpu.memory_space<vmem>>, %arg13: memref<320x128xf32, #tpu.memory_space<vmem>>, %arg14: memref<5000xf32, #tpu.memory_space<vmem>>, %arg15: memref<!tpu.dma_semaphore, #tpu.memory_space<semaphore_mem>>, %arg16: memref<!tpu.dma_semaphore, #tpu.memory_space<semaphore_mem>>, %arg17: memref<!tpu.dma_semaphore, #tpu.memory_space<semaphore_mem>>, %arg18: memref<!tpu.dma_semaphore, #tpu.memory_space<semaphore_mem>>, %arg19: memref<!tpu.dma_semaphore, #tpu.memory_space<semaphore_mem>>, %arg20: memref<!tpu.dma_semaphore, #tpu.memory_space<semaphore_mem>>) attributes {dimension_semantics = [#tpu.dimension_semantics<core_parallel>, #tpu.dimension_semantics<subcore_parallel>], iteration_bounds = array<i64: 2, 16>, scalar_prefetch = 0 : i64, scratch_operands = 11 : i64, tpu.core_type = #tpu.core_type<sc_vector_subcore>, window_params = [{transform_indices = #map}, {transform_indices = #map}, {transform_indices = #map1}, {transform_indices = #map1}, {transform_indices = #map1}, {transform_indices = #map}, {transform_indices = #map}, {transform_indices = #map1}]} {
    %mul3A = arith.constant 2 : i32
    %mul3A_0 = arith.muli %arg1, %mul3A : i32
    %add3A = arith.addi %mul3A_0, %arg0 : i32
    %mul3A_1 = arith.constant 5000 : i32
    %mul3A_2 = arith.muli %add3A, %mul3A_1 : i32
    "tpu.region"() ({
      %run_scoped3A = tpu.sem_alloc : memref<!tpu.dma_semaphore, #tpu.memory_space<semaphore_mem>>
      %dma_start3A_627 = tpu.memref_slice %arg6[%mul3A_2] : memref<160000xi32, #tpu.memory_space<hbm>> -> memref<5000xi32, #tpu.memory_space<hbm>>
      %dma_start3A_628 = tpu.memref_slice %arg6[%mul3A_2] : memref<160000xi32, #tpu.memory_space<hbm>> -> memref<5000xi32, #tpu.memory_space<hbm>>
      tpu.enqueue_dma source(%dma_start3A_628 : memref<5000xi32, #tpu.memory_space<hbm>>) target(%arg10 : memref<5000xi32, #tpu.memory_space<vmem>>) target_semaphore(%run_scoped3A : memref<!tpu.dma_semaphore, #tpu.memory_space<semaphore_mem>>)
      %dma_wait3A_629 = tpu.memref_slice %arg6[%mul3A_2] : memref<160000xi32, #tpu.memory_space<hbm>> -> memref<5000xi32, #tpu.memory_space<hbm>>
      %dma_wait3A_630 = tpu.memref_slice %arg6[%mul3A_2] : memref<160000xi32, #tpu.memory_space<hbm>> -> memref<5000xi32, #tpu.memory_space<hbm>>
      tpu.wait_dma2 semaphore(%run_scoped3A : memref<!tpu.dma_semaphore, #tpu.memory_space<semaphore_mem>>) src(%dma_wait3A_630 : memref<5000xi32, #tpu.memory_space<hbm>>) dst(%arg10 : memref<5000xi32, #tpu.memory_space<vmem>>)
      tpu.yield
    }) : () -> ()
    %dma_start3A = arith.constant 0 : i32
    %dma_start3A_3 = tpu.memref_slice %arg4[%dma_start3A] : memref<10000xf32, #tpu.memory_space<hbm>> -> memref<10000xf32, #tpu.memory_space<hbm>>
    tpu.enqueue_indirect_dma source(%dma_start3A_3 : memref<10000xf32, #tpu.memory_space<hbm>>) target(%arg14 : memref<5000xf32, #tpu.memory_space<vmem>>) offsets(%arg10 : memref<5000xi32, #tpu.memory_space<vmem>>) semaphore(%arg15 : memref<!tpu.dma_semaphore, #tpu.memory_space<semaphore_mem>>)
    %dma_start3A_4 = arith.constant 0 : i32
    %dma_start3A_5 = arith.constant 0 : i32
    %dma_start3A_6 = tpu.memref_slice %arg12[%dma_start3A_4, %dma_start3A_5] : memref<320x128xf32, #tpu.memory_space<vmem>> -> memref<320x128xf32, #tpu.memory_space<vmem>>
    %dma_start3A_7 = arith.constant 0 : i32
    %dma_start3A_8 = tpu.memref_slice %arg10[%dma_start3A_7] : memref<5000xi32, #tpu.memory_space<vmem>> -> memref<320xi32, #tpu.memory_space<vmem>>
    %dma_start3A_9 = arith.constant 0 : i32
    %dma_start3A_10 = arith.constant 0 : i32
    %dma_start3A_11 = tpu.memref_slice %arg3[%dma_start3A_9, %dma_start3A_10] : memref<10000x128xf32, #tpu.memory_space<hbm>> -> memref<10000x128xf32, #tpu.memory_space<hbm>>
    tpu.enqueue_indirect_dma source(%dma_start3A_11 : memref<10000x128xf32, #tpu.memory_space<hbm>>) target(%dma_start3A_6 : memref<320x128xf32, #tpu.memory_space<vmem>>) offsets(%dma_start3A_8 : memref<320xi32, #tpu.memory_space<vmem>>) semaphore(%arg17 : memref<!tpu.dma_semaphore, #tpu.memory_space<semaphore_mem>>)
    %dma_start3A_12 = arith.constant 0 : i32
    %dma_start3A_13 = arith.constant 0 : i32
    %dma_start3A_14 = tpu.memref_slice %arg13[%dma_start3A_12, %dma_start3A_13] : memref<320x128xf32, #tpu.memory_space<vmem>> -> memref<320x128xf32, #tpu.memory_space<vmem>>
    %dma_start3A_15 = arith.constant 320 : i32
    %dma_start3A_16 = tpu.memref_slice %arg10[%dma_start3A_15] : memref<5000xi32, #tpu.memory_space<vmem>> -> memref<320xi32, #tpu.memory_space<vmem>>
    %dma_start3A_17 = arith.constant 0 : i32
    %dma_start3A_18 = arith.constant 0 : i32
    %dma_start3A_19 = tpu.memref_slice %arg3[%dma_start3A_17, %dma_start3A_18] : memref<10000x128xf32, #tpu.memory_space<hbm>> -> memref<10000x128xf32, #tpu.memory_space<hbm>>
    tpu.enqueue_indirect_dma source(%dma_start3A_19 : memref<10000x128xf32, #tpu.memory_space<hbm>>) target(%dma_start3A_14 : memref<320x128xf32, #tpu.memory_space<vmem>>) offsets(%dma_start3A_16 : memref<320xi32, #tpu.memory_space<vmem>>) semaphore(%arg18 : memref<!tpu.dma_semaphore, #tpu.memory_space<semaphore_mem>>)
    %dma_wait3A = arith.constant 0 : i32
    %dma_wait3A_20 = arith.constant 0 : i32
    %dma_wait3A_21 = tpu.memref_slice %arg12[%dma_wait3A, %dma_wait3A_20] : memref<320x128xf32, #tpu.memory_space<vmem>> -> memref<320x128xf32, #tpu.memory_space<vmem>>
    %dma_wait3A_22 = arith.constant 0 : i32
    %dma_wait3A_23 = tpu.memref_slice %arg10[%dma_wait3A_22] : memref<5000xi32, #tpu.memory_space<vmem>> -> memref<320xi32, #tpu.memory_space<vmem>>
    %dma_wait3A_24 = arith.constant 0 : i32
    %dma_wait3A_25 = arith.constant 0 : i32
    %dma_wait3A_26 = tpu.memref_slice %arg3[%dma_wait3A_24, %dma_wait3A_25] : memref<10000x128xf32, #tpu.memory_space<hbm>> -> memref<10000x128xf32, #tpu.memory_space<hbm>>
    tpu.wait_indirect_dma semaphore(%arg17 : memref<!tpu.dma_semaphore, #tpu.memory_space<semaphore_mem>>) src(%dma_wait3A_26 : memref<10000x128xf32, #tpu.memory_space<hbm>>) dst(%dma_wait3A_21 : memref<320x128xf32, #tpu.memory_space<vmem>>)
    %add3A_27 = arith.constant 0 : i32
    %add3A_28 = arith.addi %mul3A_2, %add3A_27 : i32
    %dma_start3A_29 = arith.constant 0 : i32
    %dma_start3A_30 = arith.constant 0 : i32
    %dma_start3A_31 = tpu.memref_slice %arg12[%dma_start3A_29, %dma_start3A_30] : memref<320x128xf32, #tpu.memory_space<vmem>> -> memref<320x128xf32, #tpu.memory_space<vmem>>
    %dma_start3A_32 = arith.constant 0 : i32
    %dma_start3A_33 = tpu.memref_slice %arg8[%add3A_28, %dma_start3A_32] : memref<160000x128xf32, #tpu.memory_space<hbm>> -> memref<320x128xf32, #tpu.memory_space<hbm>>
    %dma_start3A_34 = arith.constant 0 : i32
    %dma_start3A_35 = tpu.memref_slice %arg8[%add3A_28, %dma_start3A_34] : memref<160000x128xf32, #tpu.memory_space<hbm>> -> memref<320x128xf32, #tpu.memory_space<hbm>>
    %dma_start3A_36 = arith.constant 0 : i32
    %dma_start3A_37 = arith.constant 0 : i32
    %dma_start3A_38 = tpu.memref_slice %arg12[%dma_start3A_36, %dma_start3A_37] : memref<320x128xf32, #tpu.memory_space<vmem>> -> memref<320x128xf32, #tpu.memory_space<vmem>>
    tpu.enqueue_dma source(%dma_start3A_38 : memref<320x128xf32, #tpu.memory_space<vmem>>) target(%dma_start3A_35 : memref<320x128xf32, #tpu.memory_space<hbm>>) target_semaphore(%arg19 : memref<!tpu.dma_semaphore, #tpu.memory_space<semaphore_mem>>)
    %dma_wait3A_39 = arith.constant 0 : i32
    %dma_wait3A_40 = arith.constant 0 : i32
    %dma_wait3A_41 = tpu.memref_slice %arg12[%dma_wait3A_39, %dma_wait3A_40] : memref<320x128xf32, #tpu.memory_space<vmem>> -> memref<320x128xf32, #tpu.memory_space<vmem>>
    %dma_wait3A_42 = arith.constant 0 : i32
    %dma_wait3A_43 = tpu.memref_slice %arg8[%add3A_28, %dma_wait3A_42] : memref<160000x128xf32, #tpu.memory_space<hbm>> -> memref<320x128xf32, #tpu.memory_space<hbm>>
    %dma_wait3A_44 = arith.constant 0 : i32
    %dma_wait3A_45 = tpu.memref_slice %arg8[%add3A_28, %dma_wait3A_44] : memref<160000x128xf32, #tpu.memory_space<hbm>> -> memref<320x128xf32, #tpu.memory_space<hbm>>
    %dma_wait3A_46 = arith.constant 0 : i32
    %dma_wait3A_47 = arith.constant 0 : i32
    %dma_wait3A_48 = tpu.memref_slice %arg12[%dma_wait3A_46, %dma_wait3A_47] : memref<320x128xf32, #tpu.memory_space<vmem>> -> memref<320x128xf32, #tpu.memory_space<vmem>>
    tpu.wait_dma2 semaphore(%arg19 : memref<!tpu.dma_semaphore, #tpu.memory_space<semaphore_mem>>) src(%dma_wait3A_48 : memref<320x128xf32, #tpu.memory_space<vmem>>) dst(%dma_wait3A_45 : memref<320x128xf32, #tpu.memory_space<hbm>>)
    %dma_start3A_49 = arith.constant 0 : i32
    %dma_start3A_50 = arith.constant 0 : i32
    %dma_start3A_51 = tpu.memref_slice %arg12[%dma_start3A_49, %dma_start3A_50] : memref<320x128xf32, #tpu.memory_space<vmem>> -> memref<320x128xf32, #tpu.memory_space<vmem>>
    %dma_start3A_52 = arith.constant 640 : i32
    %dma_start3A_53 = tpu.memref_slice %arg10[%dma_start3A_52] : memref<5000xi32, #tpu.memory_space<vmem>> -> memref<320xi32, #tpu.memory_space<vmem>>
    %dma_start3A_54 = arith.constant 0 : i32
    %dma_start3A_55 = arith.constant 0 : i32
    %dma_start3A_56 = tpu.memref_slice %arg3[%dma_start3A_54, %dma_start3A_55] : memref<10000x128xf32, #tpu.memory_space<hbm>> -> memref<10000x128xf32, #tpu.memory_space<hbm>>
    tpu.enqueue_indirect_dma source(%dma_start3A_56 : memref<10000x128xf32, #tpu.memory_space<hbm>>) target(%dma_start3A_51 : memref<320x128xf32, #tpu.memory_space<vmem>>) offsets(%dma_start3A_53 : memref<320xi32, #tpu.memory_space<vmem>>) semaphore(%arg17 : memref<!tpu.dma_semaphore, #tpu.memory_space<semaphore_mem>>)
    %dma_wait3A_57 = arith.constant 0 : i32
    %dma_wait3A_58 = arith.constant 0 : i32
    %dma_wait3A_59 = tpu.memref_slice %arg13[%dma_wait3A_57, %dma_wait3A_58] : memref<320x128xf32, #tpu.memory_space<vmem>> -> memref<320x128xf32, #tpu.memory_space<vmem>>
    %dma_wait3A_60 = arith.constant 320 : i32
    %dma_wait3A_61 = tpu.memref_slice %arg10[%dma_wait3A_60] : memref<5000xi32, #tpu.memory_space<vmem>> -> memref<320xi32, #tpu.memory_space<vmem>>
    %dma_wait3A_62 = arith.constant 0 : i32
    %dma_wait3A_63 = arith.constant 0 : i32
    %dma_wait3A_64 = tpu.memref_slice %arg3[%dma_wait3A_62, %dma_wait3A_63] : memref<10000x128xf32, #tpu.memory_space<hbm>> -> memref<10000x128xf32, #tpu.memory_space<hbm>>
    tpu.wait_indirect_dma semaphore(%arg18 : memref<!tpu.dma_semaphore, #tpu.memory_space<semaphore_mem>>) src(%dma_wait3A_64 : memref<10000x128xf32, #tpu.memory_space<hbm>>) dst(%dma_wait3A_59 : memref<320x128xf32, #tpu.memory_space<vmem>>)
    %add3A_65 = arith.constant 320 : i32
    %add3A_66 = arith.addi %mul3A_2, %add3A_65 : i32
    %dma_start3A_67 = arith.constant 0 : i32
    %dma_start3A_68 = arith.constant 0 : i32
    %dma_start3A_69 = tpu.memref_slice %arg13[%dma_start3A_67, %dma_start3A_68] : memref<320x128xf32, #tpu.memory_space<vmem>> -> memref<320x128xf32, #tpu.memory_space<vmem>>
    %dma_start3A_70 = arith.constant 0 : i32
    %dma_start3A_71 = tpu.memref_slice %arg8[%add3A_66, %dma_start3A_70] : memref<160000x128xf32, #tpu.memory_space<hbm>> -> memref<320x128xf32, #tpu.memory_space<hbm>>
    %dma_start3A_72 = arith.constant 0 : i32
    %dma_start3A_73 = tpu.memref_slice %arg8[%add3A_66, %dma_start3A_72] : memref<160000x128xf32, #tpu.memory_space<hbm>> -> memref<320x128xf32, #tpu.memory_space<hbm>>
    %dma_start3A_74 = arith.constant 0 : i32
    %dma_start3A_75 = arith.constant 0 : i32
    %dma_start3A_76 = tpu.memref_slice %arg13[%dma_start3A_74, %dma_start3A_75] : memref<320x128xf32, #tpu.memory_space<vmem>> -> memref<320x128xf32, #tpu.memory_space<vmem>>
    tpu.enqueue_dma source(%dma_start3A_76 : memref<320x128xf32, #tpu.memory_space<vmem>>) target(%dma_start3A_73 : memref<320x128xf32, #tpu.memory_space<hbm>>) target_semaphore(%arg20 : memref<!tpu.dma_semaphore, #tpu.memory_space<semaphore_mem>>)
    %dma_wait3A_77 = arith.constant 0 : i32
    %dma_wait3A_78 = arith.constant 0 : i32
    %dma_wait3A_79 = tpu.memref_slice %arg13[%dma_wait3A_77, %dma_wait3A_78] : memref<320x128xf32, #tpu.memory_space<vmem>> -> memref<320x128xf32, #tpu.memory_space<vmem>>
    %dma_wait3A_80 = arith.constant 0 : i32
    %dma_wait3A_81 = tpu.memref_slice %arg8[%add3A_66, %dma_wait3A_80] : memref<160000x128xf32, #tpu.memory_space<hbm>> -> memref<320x128xf32, #tpu.memory_space<hbm>>
    %dma_wait3A_82 = arith.constant 0 : i32
    %dma_wait3A_83 = tpu.memref_slice %arg8[%add3A_66, %dma_wait3A_82] : memref<160000x128xf32, #tpu.memory_space<hbm>> -> memref<320x128xf32, #tpu.memory_space<hbm>>
    %dma_wait3A_84 = arith.constant 0 : i32
    %dma_wait3A_85 = arith.constant 0 : i32
    %dma_wait3A_86 = tpu.memref_slice %arg13[%dma_wait3A_84, %dma_wait3A_85] : memref<320x128xf32, #tpu.memory_space<vmem>> -> memref<320x128xf32, #tpu.memory_space<vmem>>
    tpu.wait_dma2 semaphore(%arg20 : memref<!tpu.dma_semaphore, #tpu.memory_space<semaphore_mem>>) src(%dma_wait3A_86 : memref<320x128xf32, #tpu.memory_space<vmem>>) dst(%dma_wait3A_83 : memref<320x128xf32, #tpu.memory_space<hbm>>)
    %dma_start3A_87 = arith.constant 0 : i32
    %dma_start3A_88 = arith.constant 0 : i32
    %dma_start3A_89 = tpu.memref_slice %arg13[%dma_start3A_87, %dma_start3A_88] : memref<320x128xf32, #tpu.memory_space<vmem>> -> memref<320x128xf32, #tpu.memory_space<vmem>>
    %dma_start3A_90 = arith.constant 960 : i32
    %dma_start3A_91 = tpu.memref_slice %arg10[%dma_start3A_90] : memref<5000xi32, #tpu.memory_space<vmem>> -> memref<320xi32, #tpu.memory_space<vmem>>
    %dma_start3A_92 = arith.constant 0 : i32
    %dma_start3A_93 = arith.constant 0 : i32
    %dma_start3A_94 = tpu.memref_slice %arg3[%dma_start3A_92, %dma_start3A_93] : memref<10000x128xf32, #tpu.memory_space<hbm>> -> memref<10000x128xf32, #tpu.memory_space<hbm>>
    tpu.enqueue_indirect_dma source(%dma_start3A_94 : memref<10000x128xf32, #tpu.memory_space<hbm>>) target(%dma_start3A_89 : memref<320x128xf32, #tpu.memory_space<vmem>>) offsets(%dma_start3A_91 : memref<320xi32, #tpu.memory_space<vmem>>) semaphore(%arg18 : memref<!tpu.dma_semaphore, #tpu.memory_space<semaphore_mem>>)
    %dma_wait3A_95 = arith.constant 0 : i32
    %dma_wait3A_96 = arith.constant 0 : i32
    %dma_wait3A_97 = tpu.memref_slice %arg12[%dma_wait3A_95, %dma_wait3A_96] : memref<320x128xf32, #tpu.memory_space<vmem>> -> memref<320x128xf32, #tpu.memory_space<vmem>>
    %dma_wait3A_98 = arith.constant 640 : i32
    %dma_wait3A_99 = tpu.memref_slice %arg10[%dma_wait3A_98] : memref<5000xi32, #tpu.memory_space<vmem>> -> memref<320xi32, #tpu.memory_space<vmem>>
    %dma_wait3A_100 = arith.constant 0 : i32
    %dma_wait3A_101 = arith.constant 0 : i32
    %dma_wait3A_102 = tpu.memref_slice %arg3[%dma_wait3A_100, %dma_wait3A_101] : memref<10000x128xf32, #tpu.memory_space<hbm>> -> memref<10000x128xf32, #tpu.memory_space<hbm>>
    tpu.wait_indirect_dma semaphore(%arg17 : memref<!tpu.dma_semaphore, #tpu.memory_space<semaphore_mem>>) src(%dma_wait3A_102 : memref<10000x128xf32, #tpu.memory_space<hbm>>) dst(%dma_wait3A_97 : memref<320x128xf32, #tpu.memory_space<vmem>>)
    %add3A_103 = arith.constant 640 : i32
    %add3A_104 = arith.addi %mul3A_2, %add3A_103 : i32
    %dma_start3A_105 = arith.constant 0 : i32
    %dma_start3A_106 = arith.constant 0 : i32
    %dma_start3A_107 = tpu.memref_slice %arg12[%dma_start3A_105, %dma_start3A_106] : memref<320x128xf32, #tpu.memory_space<vmem>> -> memref<320x128xf32, #tpu.memory_space<vmem>>
    %dma_start3A_108 = arith.constant 0 : i32
    %dma_start3A_109 = tpu.memref_slice %arg8[%add3A_104, %dma_start3A_108] : memref<160000x128xf32, #tpu.memory_space<hbm>> -> memref<320x128xf32, #tpu.memory_space<hbm>>
    %dma_start3A_110 = arith.constant 0 : i32
    %dma_start3A_111 = tpu.memref_slice %arg8[%add3A_104, %dma_start3A_110] : memref<160000x128xf32, #tpu.memory_space<hbm>> -> memref<320x128xf32, #tpu.memory_space<hbm>>
    %dma_start3A_112 = arith.constant 0 : i32
    %dma_start3A_113 = arith.constant 0 : i32
    %dma_start3A_114 = tpu.memref_slice %arg12[%dma_start3A_112, %dma_start3A_113] : memref<320x128xf32, #tpu.memory_space<vmem>> -> memref<320x128xf32, #tpu.memory_space<vmem>>
    tpu.enqueue_dma source(%dma_start3A_114 : memref<320x128xf32, #tpu.memory_space<vmem>>) target(%dma_start3A_111 : memref<320x128xf32, #tpu.memory_space<hbm>>) target_semaphore(%arg19 : memref<!tpu.dma_semaphore, #tpu.memory_space<semaphore_mem>>)
    %dma_wait3A_115 = arith.constant 0 : i32
    %dma_wait3A_116 = arith.constant 0 : i32
    %dma_wait3A_117 = tpu.memref_slice %arg12[%dma_wait3A_115, %dma_wait3A_116] : memref<320x128xf32, #tpu.memory_space<vmem>> -> memref<320x128xf32, #tpu.memory_space<vmem>>
    %dma_wait3A_118 = arith.constant 0 : i32
    %dma_wait3A_119 = tpu.memref_slice %arg8[%add3A_104, %dma_wait3A_118] : memref<160000x128xf32, #tpu.memory_space<hbm>> -> memref<320x128xf32, #tpu.memory_space<hbm>>
    %dma_wait3A_120 = arith.constant 0 : i32
    %dma_wait3A_121 = tpu.memref_slice %arg8[%add3A_104, %dma_wait3A_120] : memref<160000x128xf32, #tpu.memory_space<hbm>> -> memref<320x128xf32, #tpu.memory_space<hbm>>
    %dma_wait3A_122 = arith.constant 0 : i32
    %dma_wait3A_123 = arith.constant 0 : i32
    %dma_wait3A_124 = tpu.memref_slice %arg12[%dma_wait3A_122, %dma_wait3A_123] : memref<320x128xf32, #tpu.memory_space<vmem>> -> memref<320x128xf32, #tpu.memory_space<vmem>>
    tpu.wait_dma2 semaphore(%arg19 : memref<!tpu.dma_semaphore, #tpu.memory_space<semaphore_mem>>) src(%dma_wait3A_124 : memref<320x128xf32, #tpu.memory_space<vmem>>) dst(%dma_wait3A_121 : memref<320x128xf32, #tpu.memory_space<hbm>>)
    %dma_start3A_125 = arith.constant 0 : i32
    %dma_start3A_126 = arith.constant 0 : i32
    %dma_start3A_127 = tpu.memref_slice %arg12[%dma_start3A_125, %dma_start3A_126] : memref<320x128xf32, #tpu.memory_space<vmem>> -> memref<320x128xf32, #tpu.memory_space<vmem>>
    %dma_start3A_128 = arith.constant 1280 : i32
    %dma_start3A_129 = tpu.memref_slice %arg10[%dma_start3A_128] : memref<5000xi32, #tpu.memory_space<vmem>> -> memref<320xi32, #tpu.memory_space<vmem>>
    %dma_start3A_130 = arith.constant 0 : i32
    %dma_start3A_131 = arith.constant 0 : i32
    %dma_start3A_132 = tpu.memref_slice %arg3[%dma_start3A_130, %dma_start3A_131] : memref<10000x128xf32, #tpu.memory_space<hbm>> -> memref<10000x128xf32, #tpu.memory_space<hbm>>
    tpu.enqueue_indirect_dma source(%dma_start3A_132 : memref<10000x128xf32, #tpu.memory_space<hbm>>) target(%dma_start3A_127 : memref<320x128xf32, #tpu.memory_space<vmem>>) offsets(%dma_start3A_129 : memref<320xi32, #tpu.memory_space<vmem>>) semaphore(%arg17 : memref<!tpu.dma_semaphore, #tpu.memory_space<semaphore_mem>>)
    %dma_wait3A_133 = arith.constant 0 : i32
    %dma_wait3A_134 = arith.constant 0 : i32
    %dma_wait3A_135 = tpu.memref_slice %arg13[%dma_wait3A_133, %dma_wait3A_134] : memref<320x128xf32, #tpu.memory_space<vmem>> -> memref<320x128xf32, #tpu.memory_space<vmem>>
    %dma_wait3A_136 = arith.constant 960 : i32
    %dma_wait3A_137 = tpu.memref_slice %arg10[%dma_wait3A_136] : memref<5000xi32, #tpu.memory_space<vmem>> -> memref<320xi32, #tpu.memory_space<vmem>>
    %dma_wait3A_138 = arith.constant 0 : i32
    %dma_wait3A_139 = arith.constant 0 : i32
    %dma_wait3A_140 = tpu.memref_slice %arg3[%dma_wait3A_138, %dma_wait3A_139] : memref<10000x128xf32, #tpu.memory_space<hbm>> -> memref<10000x128xf32, #tpu.memory_space<hbm>>
    tpu.wait_indirect_dma semaphore(%arg18 : memref<!tpu.dma_semaphore, #tpu.memory_space<semaphore_mem>>) src(%dma_wait3A_140 : memref<10000x128xf32, #tpu.memory_space<hbm>>) dst(%dma_wait3A_135 : memref<320x128xf32, #tpu.memory_space<vmem>>)
    %add3A_141 = arith.constant 960 : i32
    %add3A_142 = arith.addi %mul3A_2, %add3A_141 : i32
    %dma_start3A_143 = arith.constant 0 : i32
    %dma_start3A_144 = arith.constant 0 : i32
    %dma_start3A_145 = tpu.memref_slice %arg13[%dma_start3A_143, %dma_start3A_144] : memref<320x128xf32, #tpu.memory_space<vmem>> -> memref<320x128xf32, #tpu.memory_space<vmem>>
    %dma_start3A_146 = arith.constant 0 : i32
    %dma_start3A_147 = tpu.memref_slice %arg8[%add3A_142, %dma_start3A_146] : memref<160000x128xf32, #tpu.memory_space<hbm>> -> memref<320x128xf32, #tpu.memory_space<hbm>>
    %dma_start3A_148 = arith.constant 0 : i32
    %dma_start3A_149 = tpu.memref_slice %arg8[%add3A_142, %dma_start3A_148] : memref<160000x128xf32, #tpu.memory_space<hbm>> -> memref<320x128xf32, #tpu.memory_space<hbm>>
    %dma_start3A_150 = arith.constant 0 : i32
    %dma_start3A_151 = arith.constant 0 : i32
    %dma_start3A_152 = tpu.memref_slice %arg13[%dma_start3A_150, %dma_start3A_151] : memref<320x128xf32, #tpu.memory_space<vmem>> -> memref<320x128xf32, #tpu.memory_space<vmem>>
    tpu.enqueue_dma source(%dma_start3A_152 : memref<320x128xf32, #tpu.memory_space<vmem>>) target(%dma_start3A_149 : memref<320x128xf32, #tpu.memory_space<hbm>>) target_semaphore(%arg20 : memref<!tpu.dma_semaphore, #tpu.memory_space<semaphore_mem>>)
    %dma_wait3A_153 = arith.constant 0 : i32
    %dma_wait3A_154 = arith.constant 0 : i32
    %dma_wait3A_155 = tpu.memref_slice %arg13[%dma_wait3A_153, %dma_wait3A_154] : memref<320x128xf32, #tpu.memory_space<vmem>> -> memref<320x128xf32, #tpu.memory_space<vmem>>
    %dma_wait3A_156 = arith.constant 0 : i32
    %dma_wait3A_157 = tpu.memref_slice %arg8[%add3A_142, %dma_wait3A_156] : memref<160000x128xf32, #tpu.memory_space<hbm>> -> memref<320x128xf32, #tpu.memory_space<hbm>>
    %dma_wait3A_158 = arith.constant 0 : i32
    %dma_wait3A_159 = tpu.memref_slice %arg8[%add3A_142, %dma_wait3A_158] : memref<160000x128xf32, #tpu.memory_space<hbm>> -> memref<320x128xf32, #tpu.memory_space<hbm>>
    %dma_wait3A_160 = arith.constant 0 : i32
    %dma_wait3A_161 = arith.constant 0 : i32
    %dma_wait3A_162 = tpu.memref_slice %arg13[%dma_wait3A_160, %dma_wait3A_161] : memref<320x128xf32, #tpu.memory_space<vmem>> -> memref<320x128xf32, #tpu.memory_space<vmem>>
    tpu.wait_dma2 semaphore(%arg20 : memref<!tpu.dma_semaphore, #tpu.memory_space<semaphore_mem>>) src(%dma_wait3A_162 : memref<320x128xf32, #tpu.memory_space<vmem>>) dst(%dma_wait3A_159 : memref<320x128xf32, #tpu.memory_space<hbm>>)
    %dma_start3A_163 = arith.constant 0 : i32
    %dma_start3A_164 = arith.constant 0 : i32
    %dma_start3A_165 = tpu.memref_slice %arg13[%dma_start3A_163, %dma_start3A_164] : memref<320x128xf32, #tpu.memory_space<vmem>> -> memref<320x128xf32, #tpu.memory_space<vmem>>
    %dma_start3A_166 = arith.constant 1600 : i32
    %dma_start3A_167 = tpu.memref_slice %arg10[%dma_start3A_166] : memref<5000xi32, #tpu.memory_space<vmem>> -> memref<320xi32, #tpu.memory_space<vmem>>
    %dma_start3A_168 = arith.constant 0 : i32
    %dma_start3A_169 = arith.constant 0 : i32
    %dma_start3A_170 = tpu.memref_slice %arg3[%dma_start3A_168, %dma_start3A_169] : memref<10000x128xf32, #tpu.memory_space<hbm>> -> memref<10000x128xf32, #tpu.memory_space<hbm>>
    tpu.enqueue_indirect_dma source(%dma_start3A_170 : memref<10000x128xf32, #tpu.memory_space<hbm>>) target(%dma_start3A_165 : memref<320x128xf32, #tpu.memory_space<vmem>>) offsets(%dma_start3A_167 : memref<320xi32, #tpu.memory_space<vmem>>) semaphore(%arg18 : memref<!tpu.dma_semaphore, #tpu.memory_space<semaphore_mem>>)
    %dma_wait3A_171 = arith.constant 0 : i32
    %dma_wait3A_172 = arith.constant 0 : i32
    %dma_wait3A_173 = tpu.memref_slice %arg12[%dma_wait3A_171, %dma_wait3A_172] : memref<320x128xf32, #tpu.memory_space<vmem>> -> memref<320x128xf32, #tpu.memory_space<vmem>>
    %dma_wait3A_174 = arith.constant 1280 : i32
    %dma_wait3A_175 = tpu.memref_slice %arg10[%dma_wait3A_174] : memref<5000xi32, #tpu.memory_space<vmem>> -> memref<320xi32, #tpu.memory_space<vmem>>
    %dma_wait3A_176 = arith.constant 0 : i32
    %dma_wait3A_177 = arith.constant 0 : i32
    %dma_wait3A_178 = tpu.memref_slice %arg3[%dma_wait3A_176, %dma_wait3A_177] : memref<10000x128xf32, #tpu.memory_space<hbm>> -> memref<10000x128xf32, #tpu.memory_space<hbm>>
    tpu.wait_indirect_dma semaphore(%arg17 : memref<!tpu.dma_semaphore, #tpu.memory_space<semaphore_mem>>) src(%dma_wait3A_178 : memref<10000x128xf32, #tpu.memory_space<hbm>>) dst(%dma_wait3A_173 : memref<320x128xf32, #tpu.memory_space<vmem>>)
    %add3A_179 = arith.constant 1280 : i32
    %add3A_180 = arith.addi %mul3A_2, %add3A_179 : i32
    %dma_start3A_181 = arith.constant 0 : i32
    %dma_start3A_182 = arith.constant 0 : i32
    %dma_start3A_183 = tpu.memref_slice %arg12[%dma_start3A_181, %dma_start3A_182] : memref<320x128xf32, #tpu.memory_space<vmem>> -> memref<320x128xf32, #tpu.memory_space<vmem>>
    %dma_start3A_184 = arith.constant 0 : i32
    %dma_start3A_185 = tpu.memref_slice %arg8[%add3A_180, %dma_start3A_184] : memref<160000x128xf32, #tpu.memory_space<hbm>> -> memref<320x128xf32, #tpu.memory_space<hbm>>
    %dma_start3A_186 = arith.constant 0 : i32
    %dma_start3A_187 = tpu.memref_slice %arg8[%add3A_180, %dma_start3A_186] : memref<160000x128xf32, #tpu.memory_space<hbm>> -> memref<320x128xf32, #tpu.memory_space<hbm>>
    %dma_start3A_188 = arith.constant 0 : i32
    %dma_start3A_189 = arith.constant 0 : i32
    %dma_start3A_190 = tpu.memref_slice %arg12[%dma_start3A_188, %dma_start3A_189] : memref<320x128xf32, #tpu.memory_space<vmem>> -> memref<320x128xf32, #tpu.memory_space<vmem>>
    tpu.enqueue_dma source(%dma_start3A_190 : memref<320x128xf32, #tpu.memory_space<vmem>>) target(%dma_start3A_187 : memref<320x128xf32, #tpu.memory_space<hbm>>) target_semaphore(%arg19 : memref<!tpu.dma_semaphore, #tpu.memory_space<semaphore_mem>>)
    %dma_wait3A_191 = arith.constant 0 : i32
    %dma_wait3A_192 = arith.constant 0 : i32
    %dma_wait3A_193 = tpu.memref_slice %arg12[%dma_wait3A_191, %dma_wait3A_192] : memref<320x128xf32, #tpu.memory_space<vmem>> -> memref<320x128xf32, #tpu.memory_space<vmem>>
    %dma_wait3A_194 = arith.constant 0 : i32
    %dma_wait3A_195 = tpu.memref_slice %arg8[%add3A_180, %dma_wait3A_194] : memref<160000x128xf32, #tpu.memory_space<hbm>> -> memref<320x128xf32, #tpu.memory_space<hbm>>
    %dma_wait3A_196 = arith.constant 0 : i32
    %dma_wait3A_197 = tpu.memref_slice %arg8[%add3A_180, %dma_wait3A_196] : memref<160000x128xf32, #tpu.memory_space<hbm>> -> memref<320x128xf32, #tpu.memory_space<hbm>>
    %dma_wait3A_198 = arith.constant 0 : i32
    %dma_wait3A_199 = arith.constant 0 : i32
    %dma_wait3A_200 = tpu.memref_slice %arg12[%dma_wait3A_198, %dma_wait3A_199] : memref<320x128xf32, #tpu.memory_space<vmem>> -> memref<320x128xf32, #tpu.memory_space<vmem>>
    tpu.wait_dma2 semaphore(%arg19 : memref<!tpu.dma_semaphore, #tpu.memory_space<semaphore_mem>>) src(%dma_wait3A_200 : memref<320x128xf32, #tpu.memory_space<vmem>>) dst(%dma_wait3A_197 : memref<320x128xf32, #tpu.memory_space<hbm>>)
    %dma_start3A_201 = arith.constant 0 : i32
    %dma_start3A_202 = arith.constant 0 : i32
    %dma_start3A_203 = tpu.memref_slice %arg12[%dma_start3A_201, %dma_start3A_202] : memref<320x128xf32, #tpu.memory_space<vmem>> -> memref<320x128xf32, #tpu.memory_space<vmem>>
    %dma_start3A_204 = arith.constant 1920 : i32
    %dma_start3A_205 = tpu.memref_slice %arg10[%dma_start3A_204] : memref<5000xi32, #tpu.memory_space<vmem>> -> memref<320xi32, #tpu.memory_space<vmem>>
    %dma_start3A_206 = arith.constant 0 : i32
    %dma_start3A_207 = arith.constant 0 : i32
    %dma_start3A_208 = tpu.memref_slice %arg3[%dma_start3A_206, %dma_start3A_207] : memref<10000x128xf32, #tpu.memory_space<hbm>> -> memref<10000x128xf32, #tpu.memory_space<hbm>>
    tpu.enqueue_indirect_dma source(%dma_start3A_208 : memref<10000x128xf32, #tpu.memory_space<hbm>>) target(%dma_start3A_203 : memref<320x128xf32, #tpu.memory_space<vmem>>) offsets(%dma_start3A_205 : memref<320xi32, #tpu.memory_space<vmem>>) semaphore(%arg17 : memref<!tpu.dma_semaphore, #tpu.memory_space<semaphore_mem>>)
    %dma_wait3A_209 = arith.constant 0 : i32
    %dma_wait3A_210 = arith.constant 0 : i32
    %dma_wait3A_211 = tpu.memref_slice %arg13[%dma_wait3A_209, %dma_wait3A_210] : memref<320x128xf32, #tpu.memory_space<vmem>> -> memref<320x128xf32, #tpu.memory_space<vmem>>
    %dma_wait3A_212 = arith.constant 1600 : i32
    %dma_wait3A_213 = tpu.memref_slice %arg10[%dma_wait3A_212] : memref<5000xi32, #tpu.memory_space<vmem>> -> memref<320xi32, #tpu.memory_space<vmem>>
    %dma_wait3A_214 = arith.constant 0 : i32
    %dma_wait3A_215 = arith.constant 0 : i32
    %dma_wait3A_216 = tpu.memref_slice %arg3[%dma_wait3A_214, %dma_wait3A_215] : memref<10000x128xf32, #tpu.memory_space<hbm>> -> memref<10000x128xf32, #tpu.memory_space<hbm>>
    tpu.wait_indirect_dma semaphore(%arg18 : memref<!tpu.dma_semaphore, #tpu.memory_space<semaphore_mem>>) src(%dma_wait3A_216 : memref<10000x128xf32, #tpu.memory_space<hbm>>) dst(%dma_wait3A_211 : memref<320x128xf32, #tpu.memory_space<vmem>>)
    %add3A_217 = arith.constant 1600 : i32
    %add3A_218 = arith.addi %mul3A_2, %add3A_217 : i32
    %dma_start3A_219 = arith.constant 0 : i32
    %dma_start3A_220 = arith.constant 0 : i32
    %dma_start3A_221 = tpu.memref_slice %arg13[%dma_start3A_219, %dma_start3A_220] : memref<320x128xf32, #tpu.memory_space<vmem>> -> memref<320x128xf32, #tpu.memory_space<vmem>>
    %dma_start3A_222 = arith.constant 0 : i32
    %dma_start3A_223 = tpu.memref_slice %arg8[%add3A_218, %dma_start3A_222] : memref<160000x128xf32, #tpu.memory_space<hbm>> -> memref<320x128xf32, #tpu.memory_space<hbm>>
    %dma_start3A_224 = arith.constant 0 : i32
    %dma_start3A_225 = tpu.memref_slice %arg8[%add3A_218, %dma_start3A_224] : memref<160000x128xf32, #tpu.memory_space<hbm>> -> memref<320x128xf32, #tpu.memory_space<hbm>>
    %dma_start3A_226 = arith.constant 0 : i32
    %dma_start3A_227 = arith.constant 0 : i32
    %dma_start3A_228 = tpu.memref_slice %arg13[%dma_start3A_226, %dma_start3A_227] : memref<320x128xf32, #tpu.memory_space<vmem>> -> memref<320x128xf32, #tpu.memory_space<vmem>>
    tpu.enqueue_dma source(%dma_start3A_228 : memref<320x128xf32, #tpu.memory_space<vmem>>) target(%dma_start3A_225 : memref<320x128xf32, #tpu.memory_space<hbm>>) target_semaphore(%arg20 : memref<!tpu.dma_semaphore, #tpu.memory_space<semaphore_mem>>)
    %dma_wait3A_229 = arith.constant 0 : i32
    %dma_wait3A_230 = arith.constant 0 : i32
    %dma_wait3A_231 = tpu.memref_slice %arg13[%dma_wait3A_229, %dma_wait3A_230] : memref<320x128xf32, #tpu.memory_space<vmem>> -> memref<320x128xf32, #tpu.memory_space<vmem>>
    %dma_wait3A_232 = arith.constant 0 : i32
    %dma_wait3A_233 = tpu.memref_slice %arg8[%add3A_218, %dma_wait3A_232] : memref<160000x128xf32, #tpu.memory_space<hbm>> -> memref<320x128xf32, #tpu.memory_space<hbm>>
    %dma_wait3A_234 = arith.constant 0 : i32
    %dma_wait3A_235 = tpu.memref_slice %arg8[%add3A_218, %dma_wait3A_234] : memref<160000x128xf32, #tpu.memory_space<hbm>> -> memref<320x128xf32, #tpu.memory_space<hbm>>
    %dma_wait3A_236 = arith.constant 0 : i32
    %dma_wait3A_237 = arith.constant 0 : i32
    %dma_wait3A_238 = tpu.memref_slice %arg13[%dma_wait3A_236, %dma_wait3A_237] : memref<320x128xf32, #tpu.memory_space<vmem>> -> memref<320x128xf32, #tpu.memory_space<vmem>>
    tpu.wait_dma2 semaphore(%arg20 : memref<!tpu.dma_semaphore, #tpu.memory_space<semaphore_mem>>) src(%dma_wait3A_238 : memref<320x128xf32, #tpu.memory_space<vmem>>) dst(%dma_wait3A_235 : memref<320x128xf32, #tpu.memory_space<hbm>>)
    %dma_start3A_239 = arith.constant 0 : i32
    %dma_start3A_240 = arith.constant 0 : i32
    %dma_start3A_241 = tpu.memref_slice %arg13[%dma_start3A_239, %dma_start3A_240] : memref<320x128xf32, #tpu.memory_space<vmem>> -> memref<320x128xf32, #tpu.memory_space<vmem>>
    %dma_start3A_242 = arith.constant 2240 : i32
    %dma_start3A_243 = tpu.memref_slice %arg10[%dma_start3A_242] : memref<5000xi32, #tpu.memory_space<vmem>> -> memref<320xi32, #tpu.memory_space<vmem>>
    %dma_start3A_244 = arith.constant 0 : i32
    %dma_start3A_245 = arith.constant 0 : i32
    %dma_start3A_246 = tpu.memref_slice %arg3[%dma_start3A_244, %dma_start3A_245] : memref<10000x128xf32, #tpu.memory_space<hbm>> -> memref<10000x128xf32, #tpu.memory_space<hbm>>
    tpu.enqueue_indirect_dma source(%dma_start3A_246 : memref<10000x128xf32, #tpu.memory_space<hbm>>) target(%dma_start3A_241 : memref<320x128xf32, #tpu.memory_space<vmem>>) offsets(%dma_start3A_243 : memref<320xi32, #tpu.memory_space<vmem>>) semaphore(%arg18 : memref<!tpu.dma_semaphore, #tpu.memory_space<semaphore_mem>>)
    %dma_wait3A_247 = arith.constant 0 : i32
    %dma_wait3A_248 = arith.constant 0 : i32
    %dma_wait3A_249 = tpu.memref_slice %arg12[%dma_wait3A_247, %dma_wait3A_248] : memref<320x128xf32, #tpu.memory_space<vmem>> -> memref<320x128xf32, #tpu.memory_space<vmem>>
    %dma_wait3A_250 = arith.constant 1920 : i32
    %dma_wait3A_251 = tpu.memref_slice %arg10[%dma_wait3A_250] : memref<5000xi32, #tpu.memory_space<vmem>> -> memref<320xi32, #tpu.memory_space<vmem>>
    %dma_wait3A_252 = arith.constant 0 : i32
    %dma_wait3A_253 = arith.constant 0 : i32
    %dma_wait3A_254 = tpu.memref_slice %arg3[%dma_wait3A_252, %dma_wait3A_253] : memref<10000x128xf32, #tpu.memory_space<hbm>> -> memref<10000x128xf32, #tpu.memory_space<hbm>>
    tpu.wait_indirect_dma semaphore(%arg17 : memref<!tpu.dma_semaphore, #tpu.memory_space<semaphore_mem>>) src(%dma_wait3A_254 : memref<10000x128xf32, #tpu.memory_space<hbm>>) dst(%dma_wait3A_249 : memref<320x128xf32, #tpu.memory_space<vmem>>)
    %add3A_255 = arith.constant 1920 : i32
    %add3A_256 = arith.addi %mul3A_2, %add3A_255 : i32
    %dma_start3A_257 = arith.constant 0 : i32
    %dma_start3A_258 = arith.constant 0 : i32
    %dma_start3A_259 = tpu.memref_slice %arg12[%dma_start3A_257, %dma_start3A_258] : memref<320x128xf32, #tpu.memory_space<vmem>> -> memref<320x128xf32, #tpu.memory_space<vmem>>
    %dma_start3A_260 = arith.constant 0 : i32
    %dma_start3A_261 = tpu.memref_slice %arg8[%add3A_256, %dma_start3A_260] : memref<160000x128xf32, #tpu.memory_space<hbm>> -> memref<320x128xf32, #tpu.memory_space<hbm>>
    %dma_start3A_262 = arith.constant 0 : i32
    %dma_start3A_263 = tpu.memref_slice %arg8[%add3A_256, %dma_start3A_262] : memref<160000x128xf32, #tpu.memory_space<hbm>> -> memref<320x128xf32, #tpu.memory_space<hbm>>
    %dma_start3A_264 = arith.constant 0 : i32
    %dma_start3A_265 = arith.constant 0 : i32
    %dma_start3A_266 = tpu.memref_slice %arg12[%dma_start3A_264, %dma_start3A_265] : memref<320x128xf32, #tpu.memory_space<vmem>> -> memref<320x128xf32, #tpu.memory_space<vmem>>
    tpu.enqueue_dma source(%dma_start3A_266 : memref<320x128xf32, #tpu.memory_space<vmem>>) target(%dma_start3A_263 : memref<320x128xf32, #tpu.memory_space<hbm>>) target_semaphore(%arg19 : memref<!tpu.dma_semaphore, #tpu.memory_space<semaphore_mem>>)
    %dma_wait3A_267 = arith.constant 0 : i32
    %dma_wait3A_268 = arith.constant 0 : i32
    %dma_wait3A_269 = tpu.memref_slice %arg12[%dma_wait3A_267, %dma_wait3A_268] : memref<320x128xf32, #tpu.memory_space<vmem>> -> memref<320x128xf32, #tpu.memory_space<vmem>>
    %dma_wait3A_270 = arith.constant 0 : i32
    %dma_wait3A_271 = tpu.memref_slice %arg8[%add3A_256, %dma_wait3A_270] : memref<160000x128xf32, #tpu.memory_space<hbm>> -> memref<320x128xf32, #tpu.memory_space<hbm>>
    %dma_wait3A_272 = arith.constant 0 : i32
    %dma_wait3A_273 = tpu.memref_slice %arg8[%add3A_256, %dma_wait3A_272] : memref<160000x128xf32, #tpu.memory_space<hbm>> -> memref<320x128xf32, #tpu.memory_space<hbm>>
    %dma_wait3A_274 = arith.constant 0 : i32
    %dma_wait3A_275 = arith.constant 0 : i32
    %dma_wait3A_276 = tpu.memref_slice %arg12[%dma_wait3A_274, %dma_wait3A_275] : memref<320x128xf32, #tpu.memory_space<vmem>> -> memref<320x128xf32, #tpu.memory_space<vmem>>
    tpu.wait_dma2 semaphore(%arg19 : memref<!tpu.dma_semaphore, #tpu.memory_space<semaphore_mem>>) src(%dma_wait3A_276 : memref<320x128xf32, #tpu.memory_space<vmem>>) dst(%dma_wait3A_273 : memref<320x128xf32, #tpu.memory_space<hbm>>)
    %dma_start3A_277 = arith.constant 0 : i32
    %dma_start3A_278 = arith.constant 0 : i32
    %dma_start3A_279 = tpu.memref_slice %arg12[%dma_start3A_277, %dma_start3A_278] : memref<320x128xf32, #tpu.memory_space<vmem>> -> memref<320x128xf32, #tpu.memory_space<vmem>>
    %dma_start3A_280 = arith.constant 2560 : i32
    %dma_start3A_281 = tpu.memref_slice %arg10[%dma_start3A_280] : memref<5000xi32, #tpu.memory_space<vmem>> -> memref<320xi32, #tpu.memory_space<vmem>>
    %dma_start3A_282 = arith.constant 0 : i32
    %dma_start3A_283 = arith.constant 0 : i32
    %dma_start3A_284 = tpu.memref_slice %arg3[%dma_start3A_282, %dma_start3A_283] : memref<10000x128xf32, #tpu.memory_space<hbm>> -> memref<10000x128xf32, #tpu.memory_space<hbm>>
    tpu.enqueue_indirect_dma source(%dma_start3A_284 : memref<10000x128xf32, #tpu.memory_space<hbm>>) target(%dma_start3A_279 : memref<320x128xf32, #tpu.memory_space<vmem>>) offsets(%dma_start3A_281 : memref<320xi32, #tpu.memory_space<vmem>>) semaphore(%arg17 : memref<!tpu.dma_semaphore, #tpu.memory_space<semaphore_mem>>)
    %dma_wait3A_285 = arith.constant 0 : i32
    %dma_wait3A_286 = arith.constant 0 : i32
    %dma_wait3A_287 = tpu.memref_slice %arg13[%dma_wait3A_285, %dma_wait3A_286] : memref<320x128xf32, #tpu.memory_space<vmem>> -> memref<320x128xf32, #tpu.memory_space<vmem>>
    %dma_wait3A_288 = arith.constant 2240 : i32
    %dma_wait3A_289 = tpu.memref_slice %arg10[%dma_wait3A_288] : memref<5000xi32, #tpu.memory_space<vmem>> -> memref<320xi32, #tpu.memory_space<vmem>>
    %dma_wait3A_290 = arith.constant 0 : i32
    %dma_wait3A_291 = arith.constant 0 : i32
    %dma_wait3A_292 = tpu.memref_slice %arg3[%dma_wait3A_290, %dma_wait3A_291] : memref<10000x128xf32, #tpu.memory_space<hbm>> -> memref<10000x128xf32, #tpu.memory_space<hbm>>
    tpu.wait_indirect_dma semaphore(%arg18 : memref<!tpu.dma_semaphore, #tpu.memory_space<semaphore_mem>>) src(%dma_wait3A_292 : memref<10000x128xf32, #tpu.memory_space<hbm>>) dst(%dma_wait3A_287 : memref<320x128xf32, #tpu.memory_space<vmem>>)
    %add3A_293 = arith.constant 2240 : i32
    %add3A_294 = arith.addi %mul3A_2, %add3A_293 : i32
    %dma_start3A_295 = arith.constant 0 : i32
    %dma_start3A_296 = arith.constant 0 : i32
    %dma_start3A_297 = tpu.memref_slice %arg13[%dma_start3A_295, %dma_start3A_296] : memref<320x128xf32, #tpu.memory_space<vmem>> -> memref<320x128xf32, #tpu.memory_space<vmem>>
    %dma_start3A_298 = arith.constant 0 : i32
    %dma_start3A_299 = tpu.memref_slice %arg8[%add3A_294, %dma_start3A_298] : memref<160000x128xf32, #tpu.memory_space<hbm>> -> memref<320x128xf32, #tpu.memory_space<hbm>>
    %dma_start3A_300 = arith.constant 0 : i32
    %dma_start3A_301 = tpu.memref_slice %arg8[%add3A_294, %dma_start3A_300] : memref<160000x128xf32, #tpu.memory_space<hbm>> -> memref<320x128xf32, #tpu.memory_space<hbm>>
    %dma_start3A_302 = arith.constant 0 : i32
    %dma_start3A_303 = arith.constant 0 : i32
    %dma_start3A_304 = tpu.memref_slice %arg13[%dma_start3A_302, %dma_start3A_303] : memref<320x128xf32, #tpu.memory_space<vmem>> -> memref<320x128xf32, #tpu.memory_space<vmem>>
    tpu.enqueue_dma source(%dma_start3A_304 : memref<320x128xf32, #tpu.memory_space<vmem>>) target(%dma_start3A_301 : memref<320x128xf32, #tpu.memory_space<hbm>>) target_semaphore(%arg20 : memref<!tpu.dma_semaphore, #tpu.memory_space<semaphore_mem>>)
    %dma_wait3A_305 = arith.constant 0 : i32
    %dma_wait3A_306 = arith.constant 0 : i32
    %dma_wait3A_307 = tpu.memref_slice %arg13[%dma_wait3A_305, %dma_wait3A_306] : memref<320x128xf32, #tpu.memory_space<vmem>> -> memref<320x128xf32, #tpu.memory_space<vmem>>
    %dma_wait3A_308 = arith.constant 0 : i32
    %dma_wait3A_309 = tpu.memref_slice %arg8[%add3A_294, %dma_wait3A_308] : memref<160000x128xf32, #tpu.memory_space<hbm>> -> memref<320x128xf32, #tpu.memory_space<hbm>>
    %dma_wait3A_310 = arith.constant 0 : i32
    %dma_wait3A_311 = tpu.memref_slice %arg8[%add3A_294, %dma_wait3A_310] : memref<160000x128xf32, #tpu.memory_space<hbm>> -> memref<320x128xf32, #tpu.memory_space<hbm>>
    %dma_wait3A_312 = arith.constant 0 : i32
    %dma_wait3A_313 = arith.constant 0 : i32
    %dma_wait3A_314 = tpu.memref_slice %arg13[%dma_wait3A_312, %dma_wait3A_313] : memref<320x128xf32, #tpu.memory_space<vmem>> -> memref<320x128xf32, #tpu.memory_space<vmem>>
    tpu.wait_dma2 semaphore(%arg20 : memref<!tpu.dma_semaphore, #tpu.memory_space<semaphore_mem>>) src(%dma_wait3A_314 : memref<320x128xf32, #tpu.memory_space<vmem>>) dst(%dma_wait3A_311 : memref<320x128xf32, #tpu.memory_space<hbm>>)
    %dma_start3A_315 = arith.constant 0 : i32
    %dma_start3A_316 = arith.constant 0 : i32
    %dma_start3A_317 = tpu.memref_slice %arg13[%dma_start3A_315, %dma_start3A_316] : memref<320x128xf32, #tpu.memory_space<vmem>> -> memref<320x128xf32, #tpu.memory_space<vmem>>
    %dma_start3A_318 = arith.constant 2880 : i32
    %dma_start3A_319 = tpu.memref_slice %arg10[%dma_start3A_318] : memref<5000xi32, #tpu.memory_space<vmem>> -> memref<320xi32, #tpu.memory_space<vmem>>
    %dma_start3A_320 = arith.constant 0 : i32
    %dma_start3A_321 = arith.constant 0 : i32
    %dma_start3A_322 = tpu.memref_slice %arg3[%dma_start3A_320, %dma_start3A_321] : memref<10000x128xf32, #tpu.memory_space<hbm>> -> memref<10000x128xf32, #tpu.memory_space<hbm>>
    tpu.enqueue_indirect_dma source(%dma_start3A_322 : memref<10000x128xf32, #tpu.memory_space<hbm>>) target(%dma_start3A_317 : memref<320x128xf32, #tpu.memory_space<vmem>>) offsets(%dma_start3A_319 : memref<320xi32, #tpu.memory_space<vmem>>) semaphore(%arg18 : memref<!tpu.dma_semaphore, #tpu.memory_space<semaphore_mem>>)
    %dma_wait3A_323 = arith.constant 0 : i32
    %dma_wait3A_324 = arith.constant 0 : i32
    %dma_wait3A_325 = tpu.memref_slice %arg12[%dma_wait3A_323, %dma_wait3A_324] : memref<320x128xf32, #tpu.memory_space<vmem>> -> memref<320x128xf32, #tpu.memory_space<vmem>>
    %dma_wait3A_326 = arith.constant 2560 : i32
    %dma_wait3A_327 = tpu.memref_slice %arg10[%dma_wait3A_326] : memref<5000xi32, #tpu.memory_space<vmem>> -> memref<320xi32, #tpu.memory_space<vmem>>
    %dma_wait3A_328 = arith.constant 0 : i32
    %dma_wait3A_329 = arith.constant 0 : i32
    %dma_wait3A_330 = tpu.memref_slice %arg3[%dma_wait3A_328, %dma_wait3A_329] : memref<10000x128xf32, #tpu.memory_space<hbm>> -> memref<10000x128xf32, #tpu.memory_space<hbm>>
    tpu.wait_indirect_dma semaphore(%arg17 : memref<!tpu.dma_semaphore, #tpu.memory_space<semaphore_mem>>) src(%dma_wait3A_330 : memref<10000x128xf32, #tpu.memory_space<hbm>>) dst(%dma_wait3A_325 : memref<320x128xf32, #tpu.memory_space<vmem>>)
    %add3A_331 = arith.constant 2560 : i32
    %add3A_332 = arith.addi %mul3A_2, %add3A_331 : i32
    %dma_start3A_333 = arith.constant 0 : i32
    %dma_start3A_334 = arith.constant 0 : i32
    %dma_start3A_335 = tpu.memref_slice %arg12[%dma_start3A_333, %dma_start3A_334] : memref<320x128xf32, #tpu.memory_space<vmem>> -> memref<320x128xf32, #tpu.memory_space<vmem>>
    %dma_start3A_336 = arith.constant 0 : i32
    %dma_start3A_337 = tpu.memref_slice %arg8[%add3A_332, %dma_start3A_336] : memref<160000x128xf32, #tpu.memory_space<hbm>> -> memref<320x128xf32, #tpu.memory_space<hbm>>
    %dma_start3A_338 = arith.constant 0 : i32
    %dma_start3A_339 = tpu.memref_slice %arg8[%add3A_332, %dma_start3A_338] : memref<160000x128xf32, #tpu.memory_space<hbm>> -> memref<320x128xf32, #tpu.memory_space<hbm>>
    %dma_start3A_340 = arith.constant 0 : i32
    %dma_start3A_341 = arith.constant 0 : i32
    %dma_start3A_342 = tpu.memref_slice %arg12[%dma_start3A_340, %dma_start3A_341] : memref<320x128xf32, #tpu.memory_space<vmem>> -> memref<320x128xf32, #tpu.memory_space<vmem>>
    tpu.enqueue_dma source(%dma_start3A_342 : memref<320x128xf32, #tpu.memory_space<vmem>>) target(%dma_start3A_339 : memref<320x128xf32, #tpu.memory_space<hbm>>) target_semaphore(%arg19 : memref<!tpu.dma_semaphore, #tpu.memory_space<semaphore_mem>>)
    %dma_wait3A_343 = arith.constant 0 : i32
    %dma_wait3A_344 = arith.constant 0 : i32
    %dma_wait3A_345 = tpu.memref_slice %arg12[%dma_wait3A_343, %dma_wait3A_344] : memref<320x128xf32, #tpu.memory_space<vmem>> -> memref<320x128xf32, #tpu.memory_space<vmem>>
    %dma_wait3A_346 = arith.constant 0 : i32
    %dma_wait3A_347 = tpu.memref_slice %arg8[%add3A_332, %dma_wait3A_346] : memref<160000x128xf32, #tpu.memory_space<hbm>> -> memref<320x128xf32, #tpu.memory_space<hbm>>
    %dma_wait3A_348 = arith.constant 0 : i32
    %dma_wait3A_349 = tpu.memref_slice %arg8[%add3A_332, %dma_wait3A_348] : memref<160000x128xf32, #tpu.memory_space<hbm>> -> memref<320x128xf32, #tpu.memory_space<hbm>>
    %dma_wait3A_350 = arith.constant 0 : i32
    %dma_wait3A_351 = arith.constant 0 : i32
    %dma_wait3A_352 = tpu.memref_slice %arg12[%dma_wait3A_350, %dma_wait3A_351] : memref<320x128xf32, #tpu.memory_space<vmem>> -> memref<320x128xf32, #tpu.memory_space<vmem>>
    tpu.wait_dma2 semaphore(%arg19 : memref<!tpu.dma_semaphore, #tpu.memory_space<semaphore_mem>>) src(%dma_wait3A_352 : memref<320x128xf32, #tpu.memory_space<vmem>>) dst(%dma_wait3A_349 : memref<320x128xf32, #tpu.memory_space<hbm>>)
    %dma_start3A_353 = arith.constant 0 : i32
    %dma_start3A_354 = arith.constant 0 : i32
    %dma_start3A_355 = tpu.memref_slice %arg12[%dma_start3A_353, %dma_start3A_354] : memref<320x128xf32, #tpu.memory_space<vmem>> -> memref<320x128xf32, #tpu.memory_space<vmem>>
    %dma_start3A_356 = arith.constant 3200 : i32
    %dma_start3A_357 = tpu.memref_slice %arg10[%dma_start3A_356] : memref<5000xi32, #tpu.memory_space<vmem>> -> memref<320xi32, #tpu.memory_space<vmem>>
    %dma_start3A_358 = arith.constant 0 : i32
    %dma_start3A_359 = arith.constant 0 : i32
    %dma_start3A_360 = tpu.memref_slice %arg3[%dma_start3A_358, %dma_start3A_359] : memref<10000x128xf32, #tpu.memory_space<hbm>> -> memref<10000x128xf32, #tpu.memory_space<hbm>>
    tpu.enqueue_indirect_dma source(%dma_start3A_360 : memref<10000x128xf32, #tpu.memory_space<hbm>>) target(%dma_start3A_355 : memref<320x128xf32, #tpu.memory_space<vmem>>) offsets(%dma_start3A_357 : memref<320xi32, #tpu.memory_space<vmem>>) semaphore(%arg17 : memref<!tpu.dma_semaphore, #tpu.memory_space<semaphore_mem>>)
    %dma_wait3A_361 = arith.constant 0 : i32
    %dma_wait3A_362 = arith.constant 0 : i32
    %dma_wait3A_363 = tpu.memref_slice %arg13[%dma_wait3A_361, %dma_wait3A_362] : memref<320x128xf32, #tpu.memory_space<vmem>> -> memref<320x128xf32, #tpu.memory_space<vmem>>
    %dma_wait3A_364 = arith.constant 2880 : i32
    %dma_wait3A_365 = tpu.memref_slice %arg10[%dma_wait3A_364] : memref<5000xi32, #tpu.memory_space<vmem>> -> memref<320xi32, #tpu.memory_space<vmem>>
    %dma_wait3A_366 = arith.constant 0 : i32
    %dma_wait3A_367 = arith.constant 0 : i32
    %dma_wait3A_368 = tpu.memref_slice %arg3[%dma_wait3A_366, %dma_wait3A_367] : memref<10000x128xf32, #tpu.memory_space<hbm>> -> memref<10000x128xf32, #tpu.memory_space<hbm>>
    tpu.wait_indirect_dma semaphore(%arg18 : memref<!tpu.dma_semaphore, #tpu.memory_space<semaphore_mem>>) src(%dma_wait3A_368 : memref<10000x128xf32, #tpu.memory_space<hbm>>) dst(%dma_wait3A_363 : memref<320x128xf32, #tpu.memory_space<vmem>>)
    %add3A_369 = arith.constant 2880 : i32
    %add3A_370 = arith.addi %mul3A_2, %add3A_369 : i32
    %dma_start3A_371 = arith.constant 0 : i32
    %dma_start3A_372 = arith.constant 0 : i32
    %dma_start3A_373 = tpu.memref_slice %arg13[%dma_start3A_371, %dma_start3A_372] : memref<320x128xf32, #tpu.memory_space<vmem>> -> memref<320x128xf32, #tpu.memory_space<vmem>>
    %dma_start3A_374 = arith.constant 0 : i32
    %dma_start3A_375 = tpu.memref_slice %arg8[%add3A_370, %dma_start3A_374] : memref<160000x128xf32, #tpu.memory_space<hbm>> -> memref<320x128xf32, #tpu.memory_space<hbm>>
    %dma_start3A_376 = arith.constant 0 : i32
    %dma_start3A_377 = tpu.memref_slice %arg8[%add3A_370, %dma_start3A_376] : memref<160000x128xf32, #tpu.memory_space<hbm>> -> memref<320x128xf32, #tpu.memory_space<hbm>>
    %dma_start3A_378 = arith.constant 0 : i32
    %dma_start3A_379 = arith.constant 0 : i32
    %dma_start3A_380 = tpu.memref_slice %arg13[%dma_start3A_378, %dma_start3A_379] : memref<320x128xf32, #tpu.memory_space<vmem>> -> memref<320x128xf32, #tpu.memory_space<vmem>>
    tpu.enqueue_dma source(%dma_start3A_380 : memref<320x128xf32, #tpu.memory_space<vmem>>) target(%dma_start3A_377 : memref<320x128xf32, #tpu.memory_space<hbm>>) target_semaphore(%arg20 : memref<!tpu.dma_semaphore, #tpu.memory_space<semaphore_mem>>)
    %dma_wait3A_381 = arith.constant 0 : i32
    %dma_wait3A_382 = arith.constant 0 : i32
    %dma_wait3A_383 = tpu.memref_slice %arg13[%dma_wait3A_381, %dma_wait3A_382] : memref<320x128xf32, #tpu.memory_space<vmem>> -> memref<320x128xf32, #tpu.memory_space<vmem>>
    %dma_wait3A_384 = arith.constant 0 : i32
    %dma_wait3A_385 = tpu.memref_slice %arg8[%add3A_370, %dma_wait3A_384] : memref<160000x128xf32, #tpu.memory_space<hbm>> -> memref<320x128xf32, #tpu.memory_space<hbm>>
    %dma_wait3A_386 = arith.constant 0 : i32
    %dma_wait3A_387 = tpu.memref_slice %arg8[%add3A_370, %dma_wait3A_386] : memref<160000x128xf32, #tpu.memory_space<hbm>> -> memref<320x128xf32, #tpu.memory_space<hbm>>
    %dma_wait3A_388 = arith.constant 0 : i32
    %dma_wait3A_389 = arith.constant 0 : i32
    %dma_wait3A_390 = tpu.memref_slice %arg13[%dma_wait3A_388, %dma_wait3A_389] : memref<320x128xf32, #tpu.memory_space<vmem>> -> memref<320x128xf32, #tpu.memory_space<vmem>>
    tpu.wait_dma2 semaphore(%arg20 : memref<!tpu.dma_semaphore, #tpu.memory_space<semaphore_mem>>) src(%dma_wait3A_390 : memref<320x128xf32, #tpu.memory_space<vmem>>) dst(%dma_wait3A_387 : memref<320x128xf32, #tpu.memory_space<hbm>>)
    %dma_start3A_391 = arith.constant 0 : i32
    %dma_start3A_392 = arith.constant 0 : i32
    %dma_start3A_393 = tpu.memref_slice %arg13[%dma_start3A_391, %dma_start3A_392] : memref<320x128xf32, #tpu.memory_space<vmem>> -> memref<320x128xf32, #tpu.memory_space<vmem>>
    %dma_start3A_394 = arith.constant 3520 : i32
    %dma_start3A_395 = tpu.memref_slice %arg10[%dma_start3A_394] : memref<5000xi32, #tpu.memory_space<vmem>> -> memref<320xi32, #tpu.memory_space<vmem>>
    %dma_start3A_396 = arith.constant 0 : i32
    %dma_start3A_397 = arith.constant 0 : i32
    %dma_start3A_398 = tpu.memref_slice %arg3[%dma_start3A_396, %dma_start3A_397] : memref<10000x128xf32, #tpu.memory_space<hbm>> -> memref<10000x128xf32, #tpu.memory_space<hbm>>
    tpu.enqueue_indirect_dma source(%dma_start3A_398 : memref<10000x128xf32, #tpu.memory_space<hbm>>) target(%dma_start3A_393 : memref<320x128xf32, #tpu.memory_space<vmem>>) offsets(%dma_start3A_395 : memref<320xi32, #tpu.memory_space<vmem>>) semaphore(%arg18 : memref<!tpu.dma_semaphore, #tpu.memory_space<semaphore_mem>>)
    %dma_wait3A_399 = arith.constant 0 : i32
    %dma_wait3A_400 = arith.constant 0 : i32
    %dma_wait3A_401 = tpu.memref_slice %arg12[%dma_wait3A_399, %dma_wait3A_400] : memref<320x128xf32, #tpu.memory_space<vmem>> -> memref<320x128xf32, #tpu.memory_space<vmem>>
    %dma_wait3A_402 = arith.constant 3200 : i32
    %dma_wait3A_403 = tpu.memref_slice %arg10[%dma_wait3A_402] : memref<5000xi32, #tpu.memory_space<vmem>> -> memref<320xi32, #tpu.memory_space<vmem>>
    %dma_wait3A_404 = arith.constant 0 : i32
    %dma_wait3A_405 = arith.constant 0 : i32
    %dma_wait3A_406 = tpu.memref_slice %arg3[%dma_wait3A_404, %dma_wait3A_405] : memref<10000x128xf32, #tpu.memory_space<hbm>> -> memref<10000x128xf32, #tpu.memory_space<hbm>>
    tpu.wait_indirect_dma semaphore(%arg17 : memref<!tpu.dma_semaphore, #tpu.memory_space<semaphore_mem>>) src(%dma_wait3A_406 : memref<10000x128xf32, #tpu.memory_space<hbm>>) dst(%dma_wait3A_401 : memref<320x128xf32, #tpu.memory_space<vmem>>)
    %add3A_407 = arith.constant 3200 : i32
    %add3A_408 = arith.addi %mul3A_2, %add3A_407 : i32
    %dma_start3A_409 = arith.constant 0 : i32
    %dma_start3A_410 = arith.constant 0 : i32
    %dma_start3A_411 = tpu.memref_slice %arg12[%dma_start3A_409, %dma_start3A_410] : memref<320x128xf32, #tpu.memory_space<vmem>> -> memref<320x128xf32, #tpu.memory_space<vmem>>
    %dma_start3A_412 = arith.constant 0 : i32
    %dma_start3A_413 = tpu.memref_slice %arg8[%add3A_408, %dma_start3A_412] : memref<160000x128xf32, #tpu.memory_space<hbm>> -> memref<320x128xf32, #tpu.memory_space<hbm>>
    %dma_start3A_414 = arith.constant 0 : i32
    %dma_start3A_415 = tpu.memref_slice %arg8[%add3A_408, %dma_start3A_414] : memref<160000x128xf32, #tpu.memory_space<hbm>> -> memref<320x128xf32, #tpu.memory_space<hbm>>
    %dma_start3A_416 = arith.constant 0 : i32
    %dma_start3A_417 = arith.constant 0 : i32
    %dma_start3A_418 = tpu.memref_slice %arg12[%dma_start3A_416, %dma_start3A_417] : memref<320x128xf32, #tpu.memory_space<vmem>> -> memref<320x128xf32, #tpu.memory_space<vmem>>
    tpu.enqueue_dma source(%dma_start3A_418 : memref<320x128xf32, #tpu.memory_space<vmem>>) target(%dma_start3A_415 : memref<320x128xf32, #tpu.memory_space<hbm>>) target_semaphore(%arg19 : memref<!tpu.dma_semaphore, #tpu.memory_space<semaphore_mem>>)
    %dma_wait3A_419 = arith.constant 0 : i32
    %dma_wait3A_420 = arith.constant 0 : i32
    %dma_wait3A_421 = tpu.memref_slice %arg12[%dma_wait3A_419, %dma_wait3A_420] : memref<320x128xf32, #tpu.memory_space<vmem>> -> memref<320x128xf32, #tpu.memory_space<vmem>>
    %dma_wait3A_422 = arith.constant 0 : i32
    %dma_wait3A_423 = tpu.memref_slice %arg8[%add3A_408, %dma_wait3A_422] : memref<160000x128xf32, #tpu.memory_space<hbm>> -> memref<320x128xf32, #tpu.memory_space<hbm>>
    %dma_wait3A_424 = arith.constant 0 : i32
    %dma_wait3A_425 = tpu.memref_slice %arg8[%add3A_408, %dma_wait3A_424] : memref<160000x128xf32, #tpu.memory_space<hbm>> -> memref<320x128xf32, #tpu.memory_space<hbm>>
    %dma_wait3A_426 = arith.constant 0 : i32
    %dma_wait3A_427 = arith.constant 0 : i32
    %dma_wait3A_428 = tpu.memref_slice %arg12[%dma_wait3A_426, %dma_wait3A_427] : memref<320x128xf32, #tpu.memory_space<vmem>> -> memref<320x128xf32, #tpu.memory_space<vmem>>
    tpu.wait_dma2 semaphore(%arg19 : memref<!tpu.dma_semaphore, #tpu.memory_space<semaphore_mem>>) src(%dma_wait3A_428 : memref<320x128xf32, #tpu.memory_space<vmem>>) dst(%dma_wait3A_425 : memref<320x128xf32, #tpu.memory_space<hbm>>)
    %dma_start3A_429 = arith.constant 0 : i32
    %dma_start3A_430 = arith.constant 0 : i32
    %dma_start3A_431 = tpu.memref_slice %arg12[%dma_start3A_429, %dma_start3A_430] : memref<320x128xf32, #tpu.memory_space<vmem>> -> memref<320x128xf32, #tpu.memory_space<vmem>>
    %dma_start3A_432 = arith.constant 3840 : i32
    %dma_start3A_433 = tpu.memref_slice %arg10[%dma_start3A_432] : memref<5000xi32, #tpu.memory_space<vmem>> -> memref<320xi32, #tpu.memory_space<vmem>>
    %dma_start3A_434 = arith.constant 0 : i32
    %dma_start3A_435 = arith.constant 0 : i32
    %dma_start3A_436 = tpu.memref_slice %arg3[%dma_start3A_434, %dma_start3A_435] : memref<10000x128xf32, #tpu.memory_space<hbm>> -> memref<10000x128xf32, #tpu.memory_space<hbm>>
    tpu.enqueue_indirect_dma source(%dma_start3A_436 : memref<10000x128xf32, #tpu.memory_space<hbm>>) target(%dma_start3A_431 : memref<320x128xf32, #tpu.memory_space<vmem>>) offsets(%dma_start3A_433 : memref<320xi32, #tpu.memory_space<vmem>>) semaphore(%arg17 : memref<!tpu.dma_semaphore, #tpu.memory_space<semaphore_mem>>)
    %dma_wait3A_437 = arith.constant 0 : i32
    %dma_wait3A_438 = arith.constant 0 : i32
    %dma_wait3A_439 = tpu.memref_slice %arg13[%dma_wait3A_437, %dma_wait3A_438] : memref<320x128xf32, #tpu.memory_space<vmem>> -> memref<320x128xf32, #tpu.memory_space<vmem>>
    %dma_wait3A_440 = arith.constant 3520 : i32
    %dma_wait3A_441 = tpu.memref_slice %arg10[%dma_wait3A_440] : memref<5000xi32, #tpu.memory_space<vmem>> -> memref<320xi32, #tpu.memory_space<vmem>>
    %dma_wait3A_442 = arith.constant 0 : i32
    %dma_wait3A_443 = arith.constant 0 : i32
    %dma_wait3A_444 = tpu.memref_slice %arg3[%dma_wait3A_442, %dma_wait3A_443] : memref<10000x128xf32, #tpu.memory_space<hbm>> -> memref<10000x128xf32, #tpu.memory_space<hbm>>
    tpu.wait_indirect_dma semaphore(%arg18 : memref<!tpu.dma_semaphore, #tpu.memory_space<semaphore_mem>>) src(%dma_wait3A_444 : memref<10000x128xf32, #tpu.memory_space<hbm>>) dst(%dma_wait3A_439 : memref<320x128xf32, #tpu.memory_space<vmem>>)
    %add3A_445 = arith.constant 3520 : i32
    %add3A_446 = arith.addi %mul3A_2, %add3A_445 : i32
    %dma_start3A_447 = arith.constant 0 : i32
    %dma_start3A_448 = arith.constant 0 : i32
    %dma_start3A_449 = tpu.memref_slice %arg13[%dma_start3A_447, %dma_start3A_448] : memref<320x128xf32, #tpu.memory_space<vmem>> -> memref<320x128xf32, #tpu.memory_space<vmem>>
    %dma_start3A_450 = arith.constant 0 : i32
    %dma_start3A_451 = tpu.memref_slice %arg8[%add3A_446, %dma_start3A_450] : memref<160000x128xf32, #tpu.memory_space<hbm>> -> memref<320x128xf32, #tpu.memory_space<hbm>>
    %dma_start3A_452 = arith.constant 0 : i32
    %dma_start3A_453 = tpu.memref_slice %arg8[%add3A_446, %dma_start3A_452] : memref<160000x128xf32, #tpu.memory_space<hbm>> -> memref<320x128xf32, #tpu.memory_space<hbm>>
    %dma_start3A_454 = arith.constant 0 : i32
    %dma_start3A_455 = arith.constant 0 : i32
    %dma_start3A_456 = tpu.memref_slice %arg13[%dma_start3A_454, %dma_start3A_455] : memref<320x128xf32, #tpu.memory_space<vmem>> -> memref<320x128xf32, #tpu.memory_space<vmem>>
    tpu.enqueue_dma source(%dma_start3A_456 : memref<320x128xf32, #tpu.memory_space<vmem>>) target(%dma_start3A_453 : memref<320x128xf32, #tpu.memory_space<hbm>>) target_semaphore(%arg20 : memref<!tpu.dma_semaphore, #tpu.memory_space<semaphore_mem>>)
    %dma_wait3A_457 = arith.constant 0 : i32
    %dma_wait3A_458 = arith.constant 0 : i32
    %dma_wait3A_459 = tpu.memref_slice %arg13[%dma_wait3A_457, %dma_wait3A_458] : memref<320x128xf32, #tpu.memory_space<vmem>> -> memref<320x128xf32, #tpu.memory_space<vmem>>
    %dma_wait3A_460 = arith.constant 0 : i32
    %dma_wait3A_461 = tpu.memref_slice %arg8[%add3A_446, %dma_wait3A_460] : memref<160000x128xf32, #tpu.memory_space<hbm>> -> memref<320x128xf32, #tpu.memory_space<hbm>>
    %dma_wait3A_462 = arith.constant 0 : i32
    %dma_wait3A_463 = tpu.memref_slice %arg8[%add3A_446, %dma_wait3A_462] : memref<160000x128xf32, #tpu.memory_space<hbm>> -> memref<320x128xf32, #tpu.memory_space<hbm>>
    %dma_wait3A_464 = arith.constant 0 : i32
    %dma_wait3A_465 = arith.constant 0 : i32
    %dma_wait3A_466 = tpu.memref_slice %arg13[%dma_wait3A_464, %dma_wait3A_465] : memref<320x128xf32, #tpu.memory_space<vmem>> -> memref<320x128xf32, #tpu.memory_space<vmem>>
    tpu.wait_dma2 semaphore(%arg20 : memref<!tpu.dma_semaphore, #tpu.memory_space<semaphore_mem>>) src(%dma_wait3A_466 : memref<320x128xf32, #tpu.memory_space<vmem>>) dst(%dma_wait3A_463 : memref<320x128xf32, #tpu.memory_space<hbm>>)
    %dma_start3A_467 = arith.constant 0 : i32
    %dma_start3A_468 = arith.constant 0 : i32
    %dma_start3A_469 = tpu.memref_slice %arg13[%dma_start3A_467, %dma_start3A_468] : memref<320x128xf32, #tpu.memory_space<vmem>> -> memref<320x128xf32, #tpu.memory_space<vmem>>
    %dma_start3A_470 = arith.constant 4160 : i32
    %dma_start3A_471 = tpu.memref_slice %arg10[%dma_start3A_470] : memref<5000xi32, #tpu.memory_space<vmem>> -> memref<320xi32, #tpu.memory_space<vmem>>
    %dma_start3A_472 = arith.constant 0 : i32
    %dma_start3A_473 = arith.constant 0 : i32
    %dma_start3A_474 = tpu.memref_slice %arg3[%dma_start3A_472, %dma_start3A_473] : memref<10000x128xf32, #tpu.memory_space<hbm>> -> memref<10000x128xf32, #tpu.memory_space<hbm>>
    tpu.enqueue_indirect_dma source(%dma_start3A_474 : memref<10000x128xf32, #tpu.memory_space<hbm>>) target(%dma_start3A_469 : memref<320x128xf32, #tpu.memory_space<vmem>>) offsets(%dma_start3A_471 : memref<320xi32, #tpu.memory_space<vmem>>) semaphore(%arg18 : memref<!tpu.dma_semaphore, #tpu.memory_space<semaphore_mem>>)
    %dma_wait3A_475 = arith.constant 0 : i32
    %dma_wait3A_476 = arith.constant 0 : i32
    %dma_wait3A_477 = tpu.memref_slice %arg12[%dma_wait3A_475, %dma_wait3A_476] : memref<320x128xf32, #tpu.memory_space<vmem>> -> memref<320x128xf32, #tpu.memory_space<vmem>>
    %dma_wait3A_478 = arith.constant 3840 : i32
    %dma_wait3A_479 = tpu.memref_slice %arg10[%dma_wait3A_478] : memref<5000xi32, #tpu.memory_space<vmem>> -> memref<320xi32, #tpu.memory_space<vmem>>
    %dma_wait3A_480 = arith.constant 0 : i32
    %dma_wait3A_481 = arith.constant 0 : i32
    %dma_wait3A_482 = tpu.memref_slice %arg3[%dma_wait3A_480, %dma_wait3A_481] : memref<10000x128xf32, #tpu.memory_space<hbm>> -> memref<10000x128xf32, #tpu.memory_space<hbm>>
    tpu.wait_indirect_dma semaphore(%arg17 : memref<!tpu.dma_semaphore, #tpu.memory_space<semaphore_mem>>) src(%dma_wait3A_482 : memref<10000x128xf32, #tpu.memory_space<hbm>>) dst(%dma_wait3A_477 : memref<320x128xf32, #tpu.memory_space<vmem>>)
    %add3A_483 = arith.constant 3840 : i32
    %add3A_484 = arith.addi %mul3A_2, %add3A_483 : i32
    %dma_start3A_485 = arith.constant 0 : i32
    %dma_start3A_486 = arith.constant 0 : i32
    %dma_start3A_487 = tpu.memref_slice %arg12[%dma_start3A_485, %dma_start3A_486] : memref<320x128xf32, #tpu.memory_space<vmem>> -> memref<320x128xf32, #tpu.memory_space<vmem>>
    %dma_start3A_488 = arith.constant 0 : i32
    %dma_start3A_489 = tpu.memref_slice %arg8[%add3A_484, %dma_start3A_488] : memref<160000x128xf32, #tpu.memory_space<hbm>> -> memref<320x128xf32, #tpu.memory_space<hbm>>
    %dma_start3A_490 = arith.constant 0 : i32
    %dma_start3A_491 = tpu.memref_slice %arg8[%add3A_484, %dma_start3A_490] : memref<160000x128xf32, #tpu.memory_space<hbm>> -> memref<320x128xf32, #tpu.memory_space<hbm>>
    %dma_start3A_492 = arith.constant 0 : i32
    %dma_start3A_493 = arith.constant 0 : i32
    %dma_start3A_494 = tpu.memref_slice %arg12[%dma_start3A_492, %dma_start3A_493] : memref<320x128xf32, #tpu.memory_space<vmem>> -> memref<320x128xf32, #tpu.memory_space<vmem>>
    tpu.enqueue_dma source(%dma_start3A_494 : memref<320x128xf32, #tpu.memory_space<vmem>>) target(%dma_start3A_491 : memref<320x128xf32, #tpu.memory_space<hbm>>) target_semaphore(%arg19 : memref<!tpu.dma_semaphore, #tpu.memory_space<semaphore_mem>>)
    %dma_wait3A_495 = arith.constant 0 : i32
    %dma_wait3A_496 = arith.constant 0 : i32
    %dma_wait3A_497 = tpu.memref_slice %arg12[%dma_wait3A_495, %dma_wait3A_496] : memref<320x128xf32, #tpu.memory_space<vmem>> -> memref<320x128xf32, #tpu.memory_space<vmem>>
    %dma_wait3A_498 = arith.constant 0 : i32
    %dma_wait3A_499 = tpu.memref_slice %arg8[%add3A_484, %dma_wait3A_498] : memref<160000x128xf32, #tpu.memory_space<hbm>> -> memref<320x128xf32, #tpu.memory_space<hbm>>
    %dma_wait3A_500 = arith.constant 0 : i32
    %dma_wait3A_501 = tpu.memref_slice %arg8[%add3A_484, %dma_wait3A_500] : memref<160000x128xf32, #tpu.memory_space<hbm>> -> memref<320x128xf32, #tpu.memory_space<hbm>>
    %dma_wait3A_502 = arith.constant 0 : i32
    %dma_wait3A_503 = arith.constant 0 : i32
    %dma_wait3A_504 = tpu.memref_slice %arg12[%dma_wait3A_502, %dma_wait3A_503] : memref<320x128xf32, #tpu.memory_space<vmem>> -> memref<320x128xf32, #tpu.memory_space<vmem>>
    tpu.wait_dma2 semaphore(%arg19 : memref<!tpu.dma_semaphore, #tpu.memory_space<semaphore_mem>>) src(%dma_wait3A_504 : memref<320x128xf32, #tpu.memory_space<vmem>>) dst(%dma_wait3A_501 : memref<320x128xf32, #tpu.memory_space<hbm>>)
    %dma_start3A_505 = arith.constant 0 : i32
    %dma_start3A_506 = arith.constant 0 : i32
    %dma_start3A_507 = tpu.memref_slice %arg12[%dma_start3A_505, %dma_start3A_506] : memref<320x128xf32, #tpu.memory_space<vmem>> -> memref<320x128xf32, #tpu.memory_space<vmem>>
    %dma_start3A_508 = arith.constant 4480 : i32
    %dma_start3A_509 = tpu.memref_slice %arg10[%dma_start3A_508] : memref<5000xi32, #tpu.memory_space<vmem>> -> memref<320xi32, #tpu.memory_space<vmem>>
    %dma_start3A_510 = arith.constant 0 : i32
    %dma_start3A_511 = arith.constant 0 : i32
    %dma_start3A_512 = tpu.memref_slice %arg3[%dma_start3A_510, %dma_start3A_511] : memref<10000x128xf32, #tpu.memory_space<hbm>> -> memref<10000x128xf32, #tpu.memory_space<hbm>>
    tpu.enqueue_indirect_dma source(%dma_start3A_512 : memref<10000x128xf32, #tpu.memory_space<hbm>>) target(%dma_start3A_507 : memref<320x128xf32, #tpu.memory_space<vmem>>) offsets(%dma_start3A_509 : memref<320xi32, #tpu.memory_space<vmem>>) semaphore(%arg17 : memref<!tpu.dma_semaphore, #tpu.memory_space<semaphore_mem>>)
    %dma_wait3A_513 = arith.constant 0 : i32
    %dma_wait3A_514 = arith.constant 0 : i32
    %dma_wait3A_515 = tpu.memref_slice %arg13[%dma_wait3A_513, %dma_wait3A_514] : memref<320x128xf32, #tpu.memory_space<vmem>> -> memref<320x128xf32, #tpu.memory_space<vmem>>
    %dma_wait3A_516 = arith.constant 4160 : i32
    %dma_wait3A_517 = tpu.memref_slice %arg10[%dma_wait3A_516] : memref<5000xi32, #tpu.memory_space<vmem>> -> memref<320xi32, #tpu.memory_space<vmem>>
    %dma_wait3A_518 = arith.constant 0 : i32
    %dma_wait3A_519 = arith.constant 0 : i32
    %dma_wait3A_520 = tpu.memref_slice %arg3[%dma_wait3A_518, %dma_wait3A_519] : memref<10000x128xf32, #tpu.memory_space<hbm>> -> memref<10000x128xf32, #tpu.memory_space<hbm>>
    tpu.wait_indirect_dma semaphore(%arg18 : memref<!tpu.dma_semaphore, #tpu.memory_space<semaphore_mem>>) src(%dma_wait3A_520 : memref<10000x128xf32, #tpu.memory_space<hbm>>) dst(%dma_wait3A_515 : memref<320x128xf32, #tpu.memory_space<vmem>>)
    %add3A_521 = arith.constant 4160 : i32
    %add3A_522 = arith.addi %mul3A_2, %add3A_521 : i32
    %dma_start3A_523 = arith.constant 0 : i32
    %dma_start3A_524 = arith.constant 0 : i32
    %dma_start3A_525 = tpu.memref_slice %arg13[%dma_start3A_523, %dma_start3A_524] : memref<320x128xf32, #tpu.memory_space<vmem>> -> memref<320x128xf32, #tpu.memory_space<vmem>>
    %dma_start3A_526 = arith.constant 0 : i32
    %dma_start3A_527 = tpu.memref_slice %arg8[%add3A_522, %dma_start3A_526] : memref<160000x128xf32, #tpu.memory_space<hbm>> -> memref<320x128xf32, #tpu.memory_space<hbm>>
    %dma_start3A_528 = arith.constant 0 : i32
    %dma_start3A_529 = tpu.memref_slice %arg8[%add3A_522, %dma_start3A_528] : memref<160000x128xf32, #tpu.memory_space<hbm>> -> memref<320x128xf32, #tpu.memory_space<hbm>>
    %dma_start3A_530 = arith.constant 0 : i32
    %dma_start3A_531 = arith.constant 0 : i32
    %dma_start3A_532 = tpu.memref_slice %arg13[%dma_start3A_530, %dma_start3A_531] : memref<320x128xf32, #tpu.memory_space<vmem>> -> memref<320x128xf32, #tpu.memory_space<vmem>>
    tpu.enqueue_dma source(%dma_start3A_532 : memref<320x128xf32, #tpu.memory_space<vmem>>) target(%dma_start3A_529 : memref<320x128xf32, #tpu.memory_space<hbm>>) target_semaphore(%arg20 : memref<!tpu.dma_semaphore, #tpu.memory_space<semaphore_mem>>)
    %dma_wait3A_533 = arith.constant 0 : i32
    %dma_wait3A_534 = arith.constant 0 : i32
    %dma_wait3A_535 = tpu.memref_slice %arg13[%dma_wait3A_533, %dma_wait3A_534] : memref<320x128xf32, #tpu.memory_space<vmem>> -> memref<320x128xf32, #tpu.memory_space<vmem>>
    %dma_wait3A_536 = arith.constant 0 : i32
    %dma_wait3A_537 = tpu.memref_slice %arg8[%add3A_522, %dma_wait3A_536] : memref<160000x128xf32, #tpu.memory_space<hbm>> -> memref<320x128xf32, #tpu.memory_space<hbm>>
    %dma_wait3A_538 = arith.constant 0 : i32
    %dma_wait3A_539 = tpu.memref_slice %arg8[%add3A_522, %dma_wait3A_538] : memref<160000x128xf32, #tpu.memory_space<hbm>> -> memref<320x128xf32, #tpu.memory_space<hbm>>
    %dma_wait3A_540 = arith.constant 0 : i32
    %dma_wait3A_541 = arith.constant 0 : i32
    %dma_wait3A_542 = tpu.memref_slice %arg13[%dma_wait3A_540, %dma_wait3A_541] : memref<320x128xf32, #tpu.memory_space<vmem>> -> memref<320x128xf32, #tpu.memory_space<vmem>>
    tpu.wait_dma2 semaphore(%arg20 : memref<!tpu.dma_semaphore, #tpu.memory_space<semaphore_mem>>) src(%dma_wait3A_542 : memref<320x128xf32, #tpu.memory_space<vmem>>) dst(%dma_wait3A_539 : memref<320x128xf32, #tpu.memory_space<hbm>>)
    %dma_start3A_543 = arith.constant 0 : i32
    %dma_start3A_544 = arith.constant 0 : i32
    %dma_start3A_545 = tpu.memref_slice %arg13[%dma_start3A_543, %dma_start3A_544] : memref<320x128xf32, #tpu.memory_space<vmem>> -> memref<200x128xf32, #tpu.memory_space<vmem>>
    %dma_start3A_546 = arith.constant 4800 : i32
    %dma_start3A_547 = tpu.memref_slice %arg10[%dma_start3A_546] : memref<5000xi32, #tpu.memory_space<vmem>> -> memref<200xi32, #tpu.memory_space<vmem>>
    %dma_start3A_548 = arith.constant 0 : i32
    %dma_start3A_549 = arith.constant 0 : i32
    %dma_start3A_550 = tpu.memref_slice %arg3[%dma_start3A_548, %dma_start3A_549] : memref<10000x128xf32, #tpu.memory_space<hbm>> -> memref<10000x128xf32, #tpu.memory_space<hbm>>
    tpu.enqueue_indirect_dma source(%dma_start3A_550 : memref<10000x128xf32, #tpu.memory_space<hbm>>) target(%dma_start3A_545 : memref<200x128xf32, #tpu.memory_space<vmem>>) offsets(%dma_start3A_547 : memref<200xi32, #tpu.memory_space<vmem>>) semaphore(%arg18 : memref<!tpu.dma_semaphore, #tpu.memory_space<semaphore_mem>>)
    %dma_wait3A_551 = arith.constant 0 : i32
    %dma_wait3A_552 = arith.constant 0 : i32
    %dma_wait3A_553 = tpu.memref_slice %arg12[%dma_wait3A_551, %dma_wait3A_552] : memref<320x128xf32, #tpu.memory_space<vmem>> -> memref<320x128xf32, #tpu.memory_space<vmem>>
    %dma_wait3A_554 = arith.constant 4480 : i32
    %dma_wait3A_555 = tpu.memref_slice %arg10[%dma_wait3A_554] : memref<5000xi32, #tpu.memory_space<vmem>> -> memref<320xi32, #tpu.memory_space<vmem>>
    %dma_wait3A_556 = arith.constant 0 : i32
    %dma_wait3A_557 = arith.constant 0 : i32
    %dma_wait3A_558 = tpu.memref_slice %arg3[%dma_wait3A_556, %dma_wait3A_557] : memref<10000x128xf32, #tpu.memory_space<hbm>> -> memref<10000x128xf32, #tpu.memory_space<hbm>>
    tpu.wait_indirect_dma semaphore(%arg17 : memref<!tpu.dma_semaphore, #tpu.memory_space<semaphore_mem>>) src(%dma_wait3A_558 : memref<10000x128xf32, #tpu.memory_space<hbm>>) dst(%dma_wait3A_553 : memref<320x128xf32, #tpu.memory_space<vmem>>)
    %add3A_559 = arith.constant 4480 : i32
    %add3A_560 = arith.addi %mul3A_2, %add3A_559 : i32
    %dma_start3A_561 = arith.constant 0 : i32
    %dma_start3A_562 = arith.constant 0 : i32
    %dma_start3A_563 = tpu.memref_slice %arg12[%dma_start3A_561, %dma_start3A_562] : memref<320x128xf32, #tpu.memory_space<vmem>> -> memref<320x128xf32, #tpu.memory_space<vmem>>
    %dma_start3A_564 = arith.constant 0 : i32
    %dma_start3A_565 = tpu.memref_slice %arg8[%add3A_560, %dma_start3A_564] : memref<160000x128xf32, #tpu.memory_space<hbm>> -> memref<320x128xf32, #tpu.memory_space<hbm>>
    %dma_start3A_566 = arith.constant 0 : i32
    %dma_start3A_567 = tpu.memref_slice %arg8[%add3A_560, %dma_start3A_566] : memref<160000x128xf32, #tpu.memory_space<hbm>> -> memref<320x128xf32, #tpu.memory_space<hbm>>
    %dma_start3A_568 = arith.constant 0 : i32
    %dma_start3A_569 = arith.constant 0 : i32
    %dma_start3A_570 = tpu.memref_slice %arg12[%dma_start3A_568, %dma_start3A_569] : memref<320x128xf32, #tpu.memory_space<vmem>> -> memref<320x128xf32, #tpu.memory_space<vmem>>
    tpu.enqueue_dma source(%dma_start3A_570 : memref<320x128xf32, #tpu.memory_space<vmem>>) target(%dma_start3A_567 : memref<320x128xf32, #tpu.memory_space<hbm>>) target_semaphore(%arg19 : memref<!tpu.dma_semaphore, #tpu.memory_space<semaphore_mem>>)
    %dma_wait3A_571 = arith.constant 0 : i32
    %dma_wait3A_572 = arith.constant 0 : i32
    %dma_wait3A_573 = tpu.memref_slice %arg13[%dma_wait3A_571, %dma_wait3A_572] : memref<320x128xf32, #tpu.memory_space<vmem>> -> memref<200x128xf32, #tpu.memory_space<vmem>>
    %dma_wait3A_574 = arith.constant 4800 : i32
    %dma_wait3A_575 = tpu.memref_slice %arg10[%dma_wait3A_574] : memref<5000xi32, #tpu.memory_space<vmem>> -> memref<200xi32, #tpu.memory_space<vmem>>
    %dma_wait3A_576 = arith.constant 0 : i32
    %dma_wait3A_577 = arith.constant 0 : i32
    %dma_wait3A_578 = tpu.memref_slice %arg3[%dma_wait3A_576, %dma_wait3A_577] : memref<10000x128xf32, #tpu.memory_space<hbm>> -> memref<10000x128xf32, #tpu.memory_space<hbm>>
    tpu.wait_indirect_dma semaphore(%arg18 : memref<!tpu.dma_semaphore, #tpu.memory_space<semaphore_mem>>) src(%dma_wait3A_578 : memref<10000x128xf32, #tpu.memory_space<hbm>>) dst(%dma_wait3A_573 : memref<200x128xf32, #tpu.memory_space<vmem>>)
    %add3A_579 = arith.constant 4800 : i32
    %add3A_580 = arith.addi %mul3A_2, %add3A_579 : i32
    %dma_start3A_581 = arith.constant 0 : i32
    %dma_start3A_582 = arith.constant 0 : i32
    %dma_start3A_583 = tpu.memref_slice %arg13[%dma_start3A_581, %dma_start3A_582] : memref<320x128xf32, #tpu.memory_space<vmem>> -> memref<200x128xf32, #tpu.memory_space<vmem>>
    %dma_start3A_584 = arith.constant 0 : i32
    %dma_start3A_585 = tpu.memref_slice %arg8[%add3A_580, %dma_start3A_584] : memref<160000x128xf32, #tpu.memory_space<hbm>> -> memref<200x128xf32, #tpu.memory_space<hbm>>
    %dma_start3A_586 = arith.constant 0 : i32
    %dma_start3A_587 = tpu.memref_slice %arg8[%add3A_580, %dma_start3A_586] : memref<160000x128xf32, #tpu.memory_space<hbm>> -> memref<200x128xf32, #tpu.memory_space<hbm>>
    %dma_start3A_588 = arith.constant 0 : i32
    %dma_start3A_589 = arith.constant 0 : i32
    %dma_start3A_590 = tpu.memref_slice %arg13[%dma_start3A_588, %dma_start3A_589] : memref<320x128xf32, #tpu.memory_space<vmem>> -> memref<200x128xf32, #tpu.memory_space<vmem>>
    tpu.enqueue_dma source(%dma_start3A_590 : memref<200x128xf32, #tpu.memory_space<vmem>>) target(%dma_start3A_587 : memref<200x128xf32, #tpu.memory_space<hbm>>) target_semaphore(%arg20 : memref<!tpu.dma_semaphore, #tpu.memory_space<semaphore_mem>>)
    %dma_wait3A_591 = arith.constant 0 : i32
    %dma_wait3A_592 = arith.constant 0 : i32
    %dma_wait3A_593 = tpu.memref_slice %arg12[%dma_wait3A_591, %dma_wait3A_592] : memref<320x128xf32, #tpu.memory_space<vmem>> -> memref<320x128xf32, #tpu.memory_space<vmem>>
    %dma_wait3A_594 = arith.constant 0 : i32
    %dma_wait3A_595 = tpu.memref_slice %arg8[%add3A_560, %dma_wait3A_594] : memref<160000x128xf32, #tpu.memory_space<hbm>> -> memref<320x128xf32, #tpu.memory_space<hbm>>
    %dma_wait3A_596 = arith.constant 0 : i32
    %dma_wait3A_597 = tpu.memref_slice %arg8[%add3A_560, %dma_wait3A_596] : memref<160000x128xf32, #tpu.memory_space<hbm>> -> memref<320x128xf32, #tpu.memory_space<hbm>>
    %dma_wait3A_598 = arith.constant 0 : i32
    %dma_wait3A_599 = arith.constant 0 : i32
    %dma_wait3A_600 = tpu.memref_slice %arg12[%dma_wait3A_598, %dma_wait3A_599] : memref<320x128xf32, #tpu.memory_space<vmem>> -> memref<320x128xf32, #tpu.memory_space<vmem>>
    tpu.wait_dma2 semaphore(%arg19 : memref<!tpu.dma_semaphore, #tpu.memory_space<semaphore_mem>>) src(%dma_wait3A_600 : memref<320x128xf32, #tpu.memory_space<vmem>>) dst(%dma_wait3A_597 : memref<320x128xf32, #tpu.memory_space<hbm>>)
    %dma_wait3A_601 = arith.constant 0 : i32
    %dma_wait3A_602 = arith.constant 0 : i32
    %dma_wait3A_603 = tpu.memref_slice %arg13[%dma_wait3A_601, %dma_wait3A_602] : memref<320x128xf32, #tpu.memory_space<vmem>> -> memref<200x128xf32, #tpu.memory_space<vmem>>
    %dma_wait3A_604 = arith.constant 0 : i32
    %dma_wait3A_605 = tpu.memref_slice %arg8[%add3A_580, %dma_wait3A_604] : memref<160000x128xf32, #tpu.memory_space<hbm>> -> memref<200x128xf32, #tpu.memory_space<hbm>>
    %dma_wait3A_606 = arith.constant 0 : i32
    %dma_wait3A_607 = tpu.memref_slice %arg8[%add3A_580, %dma_wait3A_606] : memref<160000x128xf32, #tpu.memory_space<hbm>> -> memref<200x128xf32, #tpu.memory_space<hbm>>
    %dma_wait3A_608 = arith.constant 0 : i32
    %dma_wait3A_609 = arith.constant 0 : i32
    %dma_wait3A_610 = tpu.memref_slice %arg13[%dma_wait3A_608, %dma_wait3A_609] : memref<320x128xf32, #tpu.memory_space<vmem>> -> memref<200x128xf32, #tpu.memory_space<vmem>>
    tpu.wait_dma2 semaphore(%arg20 : memref<!tpu.dma_semaphore, #tpu.memory_space<semaphore_mem>>) src(%dma_wait3A_610 : memref<200x128xf32, #tpu.memory_space<vmem>>) dst(%dma_wait3A_607 : memref<200x128xf32, #tpu.memory_space<hbm>>)
    %mul3A_611 = arith.constant 320 : i32
    %mul3A_612 = arith.muli %add3A, %mul3A_611 : i32
    "tpu.region"() ({
      %run_scoped3A = tpu.sem_alloc : memref<!tpu.dma_semaphore, #tpu.memory_space<semaphore_mem>>
      %dma_start3A_627 = tpu.memref_slice %arg5[%mul3A_612] : memref<10240xi32, #tpu.memory_space<hbm>> -> memref<320xi32, #tpu.memory_space<hbm>>
      %dma_start3A_628 = tpu.memref_slice %arg5[%mul3A_612] : memref<10240xi32, #tpu.memory_space<hbm>> -> memref<320xi32, #tpu.memory_space<hbm>>
      tpu.enqueue_dma source(%dma_start3A_628 : memref<320xi32, #tpu.memory_space<hbm>>) target(%arg11 : memref<320xi32, #tpu.memory_space<vmem>>) target_semaphore(%run_scoped3A : memref<!tpu.dma_semaphore, #tpu.memory_space<semaphore_mem>>)
      %dma_wait3A_629 = tpu.memref_slice %arg5[%mul3A_612] : memref<10240xi32, #tpu.memory_space<hbm>> -> memref<320xi32, #tpu.memory_space<hbm>>
      %dma_wait3A_630 = tpu.memref_slice %arg5[%mul3A_612] : memref<10240xi32, #tpu.memory_space<hbm>> -> memref<320xi32, #tpu.memory_space<hbm>>
      tpu.wait_dma2 semaphore(%run_scoped3A : memref<!tpu.dma_semaphore, #tpu.memory_space<semaphore_mem>>) src(%dma_wait3A_630 : memref<320xi32, #tpu.memory_space<hbm>>) dst(%arg11 : memref<320xi32, #tpu.memory_space<vmem>>)
      tpu.yield
    }) : () -> ()
    %dma_start3A_613 = arith.constant 0 : i32
    %dma_start3A_614 = arith.constant 0 : i32
    %dma_start3A_615 = tpu.memref_slice %arg12[%dma_start3A_613, %dma_start3A_614] : memref<320x128xf32, #tpu.memory_space<vmem>> -> memref<320x128xf32, #tpu.memory_space<vmem>>
    %dma_start3A_616 = arith.constant 0 : i32
    %dma_start3A_617 = arith.constant 0 : i32
    %dma_start3A_618 = tpu.memref_slice %arg2[%dma_start3A_616, %dma_start3A_617] : memref<10000x128xf32, #tpu.memory_space<hbm>> -> memref<10000x128xf32, #tpu.memory_space<hbm>>
    tpu.enqueue_indirect_dma source(%dma_start3A_618 : memref<10000x128xf32, #tpu.memory_space<hbm>>) target(%dma_start3A_615 : memref<320x128xf32, #tpu.memory_space<vmem>>) offsets(%arg11 : memref<320xi32, #tpu.memory_space<vmem>>) semaphore(%arg16 : memref<!tpu.dma_semaphore, #tpu.memory_space<semaphore_mem>>)
    %dma_wait3A_619 = arith.constant 0 : i32
    %dma_wait3A_620 = arith.constant 0 : i32
    %dma_wait3A_621 = tpu.memref_slice %arg12[%dma_wait3A_619, %dma_wait3A_620] : memref<320x128xf32, #tpu.memory_space<vmem>> -> memref<320x128xf32, #tpu.memory_space<vmem>>
    %dma_wait3A_622 = arith.constant 0 : i32
    %dma_wait3A_623 = arith.constant 0 : i32
    %dma_wait3A_624 = tpu.memref_slice %arg2[%dma_wait3A_622, %dma_wait3A_623] : memref<10000x128xf32, #tpu.memory_space<hbm>> -> memref<10000x128xf32, #tpu.memory_space<hbm>>
    tpu.wait_indirect_dma semaphore(%arg16 : memref<!tpu.dma_semaphore, #tpu.memory_space<semaphore_mem>>) src(%dma_wait3A_624 : memref<10000x128xf32, #tpu.memory_space<hbm>>) dst(%dma_wait3A_621 : memref<320x128xf32, #tpu.memory_space<vmem>>)
    "tpu.region"() ({
      %run_scoped3A = tpu.sem_alloc : memref<!tpu.dma_semaphore, #tpu.memory_space<semaphore_mem>>
      %dma_start3A_627 = arith.constant 0 : i32
      %dma_start3A_628 = arith.constant 0 : i32
      %dma_start3A_629 = tpu.memref_slice %arg12[%dma_start3A_627, %dma_start3A_628] : memref<320x128xf32, #tpu.memory_space<vmem>> -> memref<320x128xf32, #tpu.memory_space<vmem>>
      %dma_start3A_630 = arith.constant 0 : i32
      %dma_start3A_631 = tpu.memref_slice %arg7[%mul3A_612, %dma_start3A_630] : memref<10240x128xf32, #tpu.memory_space<hbm>> -> memref<320x128xf32, #tpu.memory_space<hbm>>
      %dma_start3A_632 = arith.constant 0 : i32
      %dma_start3A_633 = tpu.memref_slice %arg7[%mul3A_612, %dma_start3A_632] : memref<10240x128xf32, #tpu.memory_space<hbm>> -> memref<320x128xf32, #tpu.memory_space<hbm>>
      %dma_start3A_634 = arith.constant 0 : i32
      %dma_start3A_635 = arith.constant 0 : i32
      %dma_start3A_636 = tpu.memref_slice %arg12[%dma_start3A_634, %dma_start3A_635] : memref<320x128xf32, #tpu.memory_space<vmem>> -> memref<320x128xf32, #tpu.memory_space<vmem>>
      tpu.enqueue_dma source(%dma_start3A_636 : memref<320x128xf32, #tpu.memory_space<vmem>>) target(%dma_start3A_633 : memref<320x128xf32, #tpu.memory_space<hbm>>) target_semaphore(%run_scoped3A : memref<!tpu.dma_semaphore, #tpu.memory_space<semaphore_mem>>)
      %dma_wait3A_637 = arith.constant 0 : i32
      %dma_wait3A_638 = arith.constant 0 : i32
      %dma_wait3A_639 = tpu.memref_slice %arg12[%dma_wait3A_637, %dma_wait3A_638] : memref<320x128xf32, #tpu.memory_space<vmem>> -> memref<320x128xf32, #tpu.memory_space<vmem>>
      %dma_wait3A_640 = arith.constant 0 : i32
      %dma_wait3A_641 = tpu.memref_slice %arg7[%mul3A_612, %dma_wait3A_640] : memref<10240x128xf32, #tpu.memory_space<hbm>> -> memref<320x128xf32, #tpu.memory_space<hbm>>
      %dma_wait3A_642 = arith.constant 0 : i32
      %dma_wait3A_643 = tpu.memref_slice %arg7[%mul3A_612, %dma_wait3A_642] : memref<10240x128xf32, #tpu.memory_space<hbm>> -> memref<320x128xf32, #tpu.memory_space<hbm>>
      %dma_wait3A_644 = arith.constant 0 : i32
      %dma_wait3A_645 = arith.constant 0 : i32
      %dma_wait3A_646 = tpu.memref_slice %arg12[%dma_wait3A_644, %dma_wait3A_645] : memref<320x128xf32, #tpu.memory_space<vmem>> -> memref<320x128xf32, #tpu.memory_space<vmem>>
      tpu.wait_dma2 semaphore(%run_scoped3A : memref<!tpu.dma_semaphore, #tpu.memory_space<semaphore_mem>>) src(%dma_wait3A_646 : memref<320x128xf32, #tpu.memory_space<vmem>>) dst(%dma_wait3A_643 : memref<320x128xf32, #tpu.memory_space<hbm>>)
      tpu.yield
    }) : () -> ()
    %dma_wait3A_625 = arith.constant 0 : i32
    %dma_wait3A_626 = tpu.memref_slice %arg4[%dma_wait3A_625] : memref<10000xf32, #tpu.memory_space<hbm>> -> memref<10000xf32, #tpu.memory_space<hbm>>
    tpu.wait_indirect_dma semaphore(%arg15 : memref<!tpu.dma_semaphore, #tpu.memory_space<semaphore_mem>>) src(%dma_wait3A_626 : memref<10000xf32, #tpu.memory_space<hbm>>) dst(%arg14 : memref<5000xf32, #tpu.memory_space<vmem>>)
    "tpu.region"() ({
      %run_scoped3A = tpu.sem_alloc : memref<!tpu.dma_semaphore, #tpu.memory_space<semaphore_mem>>
      %dma_start3A_627 = tpu.memref_slice %arg9[%mul3A_2] : memref<160000xf32, #tpu.memory_space<hbm>> -> memref<5000xf32, #tpu.memory_space<hbm>>
      %dma_start3A_628 = tpu.memref_slice %arg9[%mul3A_2] : memref<160000xf32, #tpu.memory_space<hbm>> -> memref<5000xf32, #tpu.memory_space<hbm>>
      tpu.enqueue_dma source(%arg14 : memref<5000xf32, #tpu.memory_space<vmem>>) target(%dma_start3A_628 : memref<5000xf32, #tpu.memory_space<hbm>>) target_semaphore(%run_scoped3A : memref<!tpu.dma_semaphore, #tpu.memory_space<semaphore_mem>>)
      %dma_wait3A_629 = tpu.memref_slice %arg9[%mul3A_2] : memref<160000xf32, #tpu.memory_space<hbm>> -> memref<5000xf32, #tpu.memory_space<hbm>>
      %dma_wait3A_630 = tpu.memref_slice %arg9[%mul3A_2] : memref<160000xf32, #tpu.memory_space<hbm>> -> memref<5000xf32, #tpu.memory_space<hbm>>
      tpu.wait_dma2 semaphore(%run_scoped3A : memref<!tpu.dma_semaphore, #tpu.memory_space<semaphore_mem>>) src(%arg14 : memref<5000xf32, #tpu.memory_space<vmem>>) dst(%dma_wait3A_630 : memref<5000xf32, #tpu.memory_space<hbm>>)
      tpu.yield
    }) : () -> ()
    return
  }
}

#map = affine_map<(d0, d1) -> (0)>
module attributes {stable_mosaic.version = 14 : i64} {
  func.func @new_body(%arg0: i32, %arg1: i32, %arg2: memref<160000xi32, #tpu.memory_space<hbm>>, %arg3: memref<160000xf32, #tpu.memory_space<hbm>>, %arg4: memref<100000000xf32, #tpu.memory_space<hbm>>, %arg5: memref<100000000xf32, #tpu.memory_space<hbm>>, %arg6: memref<5000xi32, #tpu.memory_space<vmem>>, %arg7: memref<5000xf32, #tpu.memory_space<vmem>>, %arg8: memref<!tpu.dma_semaphore, #tpu.memory_space<semaphore_mem>>) attributes {dimension_semantics = [#tpu.dimension_semantics<core_parallel>, #tpu.dimension_semantics<subcore_parallel>], iteration_bounds = array<i64: 2, 16>, scalar_prefetch = 0 : i64, scratch_operands = 3 : i64, tpu.core_type = #tpu.core_type<sc_vector_subcore>, window_params = [{transform_indices = #map}, {transform_indices = #map}, {transform_indices = #map}, {transform_indices = #map}]} {
    %mul3A = arith.constant 2 : i32
    %mul3A_0 = arith.muli %arg1, %mul3A : i32
    %add3A = arith.addi %mul3A_0, %arg0 : i32
    %mul3A_1 = arith.constant 5000 : i32
    %mul3A_2 = arith.muli %add3A, %mul3A_1 : i32
    "tpu.region"() ({
      %run_scoped3A = tpu.sem_alloc : memref<!tpu.dma_semaphore, #tpu.memory_space<semaphore_mem>>
      %dma_start3A_5 = tpu.memref_slice %arg2[%mul3A_2] : memref<160000xi32, #tpu.memory_space<hbm>> -> memref<5000xi32, #tpu.memory_space<hbm>>
      %dma_start3A_6 = tpu.memref_slice %arg2[%mul3A_2] : memref<160000xi32, #tpu.memory_space<hbm>> -> memref<5000xi32, #tpu.memory_space<hbm>>
      tpu.enqueue_dma source(%dma_start3A_6 : memref<5000xi32, #tpu.memory_space<hbm>>) target(%arg6 : memref<5000xi32, #tpu.memory_space<vmem>>) target_semaphore(%run_scoped3A : memref<!tpu.dma_semaphore, #tpu.memory_space<semaphore_mem>>)
      %dma_wait3A_7 = tpu.memref_slice %arg2[%mul3A_2] : memref<160000xi32, #tpu.memory_space<hbm>> -> memref<5000xi32, #tpu.memory_space<hbm>>
      %dma_wait3A_8 = tpu.memref_slice %arg2[%mul3A_2] : memref<160000xi32, #tpu.memory_space<hbm>> -> memref<5000xi32, #tpu.memory_space<hbm>>
      tpu.wait_dma2 semaphore(%run_scoped3A : memref<!tpu.dma_semaphore, #tpu.memory_space<semaphore_mem>>) src(%dma_wait3A_8 : memref<5000xi32, #tpu.memory_space<hbm>>) dst(%arg6 : memref<5000xi32, #tpu.memory_space<vmem>>)
      tpu.yield
    }) : () -> ()
    "tpu.region"() ({
      %run_scoped3A = tpu.sem_alloc : memref<!tpu.dma_semaphore, #tpu.memory_space<semaphore_mem>>
      %dma_start3A_5 = tpu.memref_slice %arg3[%mul3A_2] : memref<160000xf32, #tpu.memory_space<hbm>> -> memref<5000xf32, #tpu.memory_space<hbm>>
      %dma_start3A_6 = tpu.memref_slice %arg3[%mul3A_2] : memref<160000xf32, #tpu.memory_space<hbm>> -> memref<5000xf32, #tpu.memory_space<hbm>>
      tpu.enqueue_dma source(%dma_start3A_6 : memref<5000xf32, #tpu.memory_space<hbm>>) target(%arg7 : memref<5000xf32, #tpu.memory_space<vmem>>) target_semaphore(%run_scoped3A : memref<!tpu.dma_semaphore, #tpu.memory_space<semaphore_mem>>)
      %dma_wait3A_7 = tpu.memref_slice %arg3[%mul3A_2] : memref<160000xf32, #tpu.memory_space<hbm>> -> memref<5000xf32, #tpu.memory_space<hbm>>
      %dma_wait3A_8 = tpu.memref_slice %arg3[%mul3A_2] : memref<160000xf32, #tpu.memory_space<hbm>> -> memref<5000xf32, #tpu.memory_space<hbm>>
      tpu.wait_dma2 semaphore(%run_scoped3A : memref<!tpu.dma_semaphore, #tpu.memory_space<semaphore_mem>>) src(%dma_wait3A_8 : memref<5000xf32, #tpu.memory_space<hbm>>) dst(%arg7 : memref<5000xf32, #tpu.memory_space<vmem>>)
      tpu.yield
    }) : () -> ()
    %dma_start3A = arith.constant 0 : i32
    %dma_start3A_3 = tpu.memref_slice %arg4[%dma_start3A] : memref<100000000xf32, #tpu.memory_space<hbm>> -> memref<100000000xf32, #tpu.memory_space<hbm>>
    tpu.enqueue_indirect_dma source(%arg7 : memref<5000xf32, #tpu.memory_space<vmem>>) target(%dma_start3A_3 : memref<100000000xf32, #tpu.memory_space<hbm>>) offsets(%arg6 : memref<5000xi32, #tpu.memory_space<vmem>>) semaphore(%arg8 : memref<!tpu.dma_semaphore, #tpu.memory_space<semaphore_mem>>)
    %dma_wait3A = arith.constant 0 : i32
    %dma_wait3A_4 = tpu.memref_slice %arg4[%dma_wait3A] : memref<100000000xf32, #tpu.memory_space<hbm>> -> memref<100000000xf32, #tpu.memory_space<hbm>>
    tpu.wait_indirect_dma semaphore(%arg8 : memref<!tpu.dma_semaphore, #tpu.memory_space<semaphore_mem>>) src(%arg7 : memref<5000xf32, #tpu.memory_space<vmem>>) dst(%dma_wait3A_4 : memref<100000000xf32, #tpu.memory_space<hbm>>)
    return
  }
}

module attributes {stable_mosaic.version = 14 : i64} {
  func.func @_mlp_pre_kernel(%arg0: i32, %arg1: memref<2000x128xf32, #tpu.memory_space<vmem>>, %arg2: memref<128x128xf32, #tpu.memory_space<vmem>>, %arg3: memref<128x128xf32, #tpu.memory_space<vmem>>, %arg4: memref<1x128xf32, #tpu.memory_space<vmem>>, %arg5: memref<2000x1xf32, #tpu.memory_space<vmem>>, %arg6: memref<2000x1xf32, #tpu.memory_space<vmem>>, %arg7: memref<2000x128xf32, #tpu.memory_space<vmem>>, %arg8: memref<2000x128xf32, #tpu.memory_space<vmem>>, %arg9: memref<2000x1xf32, #tpu.memory_space<vmem>>) attributes {dimension_semantics = [#tpu.dimension_semantics<arbitrary>], iteration_bounds = array<i64: 5>, scalar_prefetch = 0 : i64, scratch_operands = 0 : i64, tpu.core_type = #tpu.core_type<tc>, window_params = [{transform_indices = @transform_0, window_bounds = array<i64: 2000, 128>}, {pipeline_mode = #tpu.pipeline_mode<synchronous>, transform_indices = @transform_1, window_bounds = array<i64: 128, 128>}, {pipeline_mode = #tpu.pipeline_mode<synchronous>, transform_indices = @transform_2, window_bounds = array<i64: 128, 128>}, {pipeline_mode = #tpu.pipeline_mode<synchronous>, transform_indices = @transform_3, window_bounds = array<i64: 1, 128>}, {transform_indices = @transform_4, window_bounds = array<i64: 2000, 1>}, {transform_indices = @transform_5, window_bounds = array<i64: 2000, 1>}, {transform_indices = @transform_6, window_bounds = array<i64: 2000, 128>}, {transform_indices = @transform_7, window_bounds = array<i64: 2000, 128>}, {transform_indices = @transform_8, window_bounds = array<i64: 2000, 1>}]} {
    %get3A = arith.constant 0 : index
    %get3A_0 = arith.constant 0 : index
    %get3A_1 = vector.load %arg1[%get3A, %get3A_0] : memref<2000x128xf32, #tpu.memory_space<vmem>>, vector<2000x128xf32>
    %get3A_2 = arith.constant 0 : index
    %get3A_3 = arith.constant 0 : index
    %get3A_4 = vector.load %arg2[%get3A_2, %get3A_3] : memref<128x128xf32, #tpu.memory_space<vmem>>, vector<128x128xf32>
    %dot_general3A = arith.constant dense<0.000000e+00> : vector<2000x128xf32>
    %dot_general3A_5 = tpu.matmul %get3A_1, %get3A_4, %dot_general3A {dimension_numbers = #tpu.dot_dimension_numbers<[1], [0], [0], [1], [0, 0, 1, 1], [], []>, transpose_lhs_hint = false} : vector<2000x128xf32>, vector<128x128xf32>, vector<2000x128xf32> -> vector<2000x128xf32>
    %get3A_6 = arith.constant 0 : index
    %get3A_7 = arith.constant 0 : index
    %get3A_8 = vector.load %arg4[%get3A_6, %get3A_7] : memref<1x128xf32, #tpu.memory_space<vmem>>, vector<1x128xf32>
    %add3A = vector.broadcast %get3A_8 : vector<1x128xf32> to vector<2000x128xf32>
    %add3A_9 = arith.addf %dot_general3A_5, %add3A : vector<2000x128xf32>
    %swap3A = arith.constant 0 : index
    %swap3A_10 = arith.constant 0 : index
    %swap3A_11 = vector.load %arg7[%swap3A, %swap3A_10] : memref<2000x128xf32, #tpu.memory_space<vmem>>, vector<2000x128xf32>
    tpu.vector_store %arg7[%swap3A, %swap3A_10], %add3A_9 {strides = array<i32>} : memref<2000x128xf32, #tpu.memory_space<vmem>>, vector<2000x128xf32>,
    %get3A_12 = arith.constant 0 : index
    %get3A_13 = arith.constant 0 : index
    %get3A_14 = vector.load %arg3[%get3A_12, %get3A_13] : memref<128x128xf32, #tpu.memory_space<vmem>>, vector<128x128xf32>
    %dot_general3A_15 = arith.constant dense<0.000000e+00> : vector<2000x128xf32>
    %dot_general3A_16 = tpu.matmul %get3A_1, %get3A_14, %dot_general3A_15 {dimension_numbers = #tpu.dot_dimension_numbers<[1], [0], [0], [1], [0, 0, 1, 1], [], []>, transpose_lhs_hint = false} : vector<2000x128xf32>, vector<128x128xf32>, vector<2000x128xf32> -> vector<2000x128xf32>
    %swap3A_17 = arith.constant 0 : index
    %swap3A_18 = arith.constant 0 : index
    %swap3A_19 = vector.load %arg8[%swap3A_17, %swap3A_18] : memref<2000x128xf32, #tpu.memory_space<vmem>>, vector<2000x128xf32>
    tpu.vector_store %arg8[%swap3A_17, %swap3A_18], %dot_general3A_16 {strides = array<i32>} : memref<2000x128xf32, #tpu.memory_space<vmem>>, vector<2000x128xf32>,
    %get3A_20 = arith.constant 0 : index
    %get3A_21 = arith.constant 0 : index
    %get3A_22 = vector.load %arg5[%get3A_20, %get3A_21] : memref<2000x1xf32, #tpu.memory_space<vmem>>, vector<2000x1xf32>
    %get3A_23 = arith.constant 0 : index
    %get3A_24 = arith.constant 0 : index
    %get3A_25 = vector.load %arg6[%get3A_23, %get3A_24] : memref<2000x1xf32, #tpu.memory_space<vmem>>, vector<2000x1xf32>
    %sub3A = arith.subf %get3A_22, %get3A_25 : vector<2000x1xf32>
    %swap3A_26 = arith.constant 0 : index
    %swap3A_27 = arith.constant 0 : index
    %swap3A_28 = vector.load %arg9[%swap3A_26, %swap3A_27] : memref<2000x1xf32, #tpu.memory_space<vmem>>, vector<2000x1xf32>
    tpu.vector_store %arg9[%swap3A_26, %swap3A_27], %sub3A {strides = array<i32>} : memref<2000x1xf32, #tpu.memory_space<vmem>>, vector<2000x1xf32>,
    return
  }
  func.func @transform_0(%arg0: i32) -> (i32, i32) {
    %c0_i32 = arith.constant 0 : i32
    %c0_i32_0 = arith.constant 0 : i32
    return %arg0, %c0_i32 : i32, i32
  }
  func.func @transform_1(%arg0: i32) -> (i32, i32) {
    %c0_i32 = arith.constant 0 : i32
    %c0_i32_0 = arith.constant 0 : i32
    %c0_i32_1 = arith.constant 0 : i32
    return %c0_i32, %c0_i32_0 : i32, i32
  }
  func.func @transform_2(%arg0: i32) -> (i32, i32) {
    %c0_i32 = arith.constant 0 : i32
    %c0_i32_0 = arith.constant 0 : i32
    %c0_i32_1 = arith.constant 0 : i32
    return %c0_i32, %c0_i32_0 : i32, i32
  }
  func.func @transform_3(%arg0: i32) -> (i32, i32) {
    %c0_i32 = arith.constant 0 : i32
    %c0_i32_0 = arith.constant 0 : i32
    %c0_i32_1 = arith.constant 0 : i32
    return %c0_i32, %c0_i32_0 : i32, i32
  }
  func.func @transform_4(%arg0: i32) -> (i32, i32) {
    %c0_i32 = arith.constant 0 : i32
    %c0_i32_0 = arith.constant 0 : i32
    return %arg0, %c0_i32 : i32, i32
  }
  func.func @transform_5(%arg0: i32) -> (i32, i32) {
    %c0_i32 = arith.constant 0 : i32
    %c0_i32_0 = arith.constant 0 : i32
    return %arg0, %c0_i32 : i32, i32
  }
  func.func @transform_6(%arg0: i32) -> (i32, i32) {
    %c0_i32 = arith.constant 0 : i32
    %c0_i32_0 = arith.constant 0 : i32
    return %arg0, %c0_i32 : i32, i32
  }
  func.func @transform_7(%arg0: i32) -> (i32, i32) {
    %c0_i32 = arith.constant 0 : i32
    %c0_i32_0 = arith.constant 0 : i32
    return %arg0, %c0_i32 : i32, i32
  }
  func.func @transform_8(%arg0: i32) -> (i32, i32) {
    %c0_i32 = arith.constant 0 : i32
    %c0_i32_0 = arith.constant 0 : i32
    return %arg0, %c0_i32 : i32, i32
  }
}

module attributes {stable_mosaic.version = 14 : i64} {
  func.func @_mlp_main_kernel(%arg0: i32, %arg1: memref<6400x128xf32, #tpu.memory_space<vmem>>, %arg2: memref<400x128xf32, #tpu.memory_space<vmem>>, %arg3: memref<128x128xf32, #tpu.memory_space<vmem>>, %arg4: memref<1x128xf32, #tpu.memory_space<vmem>>, %arg5: memref<128x1xf32, #tpu.memory_space<vmem>>, %arg6: memref<1x1xf32, #tpu.memory_space<smem>>, %arg7: memref<6400x1xf32, #tpu.memory_space<vmem>>) attributes {dimension_semantics = [#tpu.dimension_semantics<arbitrary>], iteration_bounds = array<i64: 25>, scalar_prefetch = 0 : i64, scratch_operands = 0 : i64, tpu.core_type = #tpu.core_type<tc>, window_params = [{transform_indices = @transform_0, window_bounds = array<i64: 6400, 128>}, {transform_indices = @transform_1, window_bounds = array<i64: 400, 128>}, {pipeline_mode = #tpu.pipeline_mode<synchronous>, transform_indices = @transform_2, window_bounds = array<i64: 128, 128>}, {pipeline_mode = #tpu.pipeline_mode<synchronous>, transform_indices = @transform_3, window_bounds = array<i64: 1, 128>}, {pipeline_mode = #tpu.pipeline_mode<synchronous>, transform_indices = @transform_4, window_bounds = array<i64: 128, 1>}, {transform_indices = @transform_5, window_bounds = array<i64: 1, 1>}, {transform_indices = @transform_6, window_bounds = array<i64: 6400, 1>}]} {
    %get3A = arith.constant 0 : index
    %get3A_0 = arith.constant 0 : index
    %get3A_1 = vector.load %arg2[%get3A, %get3A_0] : memref<400x128xf32, #tpu.memory_space<vmem>>, vector<400x128xf32>
    %broadcast_in_dim3A = vector.shape_cast %get3A_1 : vector<400x128xf32> to vector<400x1x128xf32>
    %broadcast_in_dim3A_2 = vector.shape_cast %broadcast_in_dim3A : vector<400x1x128xf32> to vector<400x1x128xf32>
    %broadcast_in_dim3A_3 = vector.broadcast %broadcast_in_dim3A_2 : vector<400x1x128xf32> to vector<400x16x128xf32>
    %reshape3A = vector.shape_cast %broadcast_in_dim3A_3 : vector<400x16x128xf32> to vector<6400x128xf32>
    %get3A_4 = arith.constant 0 : index
    %get3A_5 = arith.constant 0 : index
    %get3A_6 = vector.load %arg1[%get3A_4, %get3A_5] : memref<6400x128xf32, #tpu.memory_space<vmem>>, vector<6400x128xf32>
    %add3A = arith.addf %reshape3A, %get3A_6 : vector<6400x128xf32>
    %max3A = arith.constant 0.000000e+00 : f32
    %max3A_7 = vector.broadcast %max3A : f32 to vector<6400x128xf32>
    %max3A_8 = arith.maximumf %add3A, %max3A_7 : vector<6400x128xf32>
    %get3A_9 = arith.constant 0 : index
    %get3A_10 = arith.constant 0 : index
    %get3A_11 = vector.load %arg3[%get3A_9, %get3A_10] : memref<128x128xf32, #tpu.memory_space<vmem>>, vector<128x128xf32>
    %dot_general3A = arith.constant dense<0.000000e+00> : vector<6400x128xf32>
    %dot_general3A_12 = tpu.matmul %max3A_8, %get3A_11, %dot_general3A {dimension_numbers = #tpu.dot_dimension_numbers<[1], [0], [0], [1], [0, 0, 1, 1], [], []>, transpose_lhs_hint = false} : vector<6400x128xf32>, vector<128x128xf32>, vector<6400x128xf32> -> vector<6400x128xf32>
    %get3A_13 = arith.constant 0 : index
    %get3A_14 = arith.constant 0 : index
    %get3A_15 = vector.load %arg4[%get3A_13, %get3A_14] : memref<1x128xf32, #tpu.memory_space<vmem>>, vector<1x128xf32>
    %add3A_16 = vector.broadcast %get3A_15 : vector<1x128xf32> to vector<6400x128xf32>
    %add3A_17 = arith.addf %dot_general3A_12, %add3A_16 : vector<6400x128xf32>
    %max3A_18 = arith.constant 0.000000e+00 : f32
    %max3A_19 = vector.broadcast %max3A_18 : f32 to vector<6400x128xf32>
    %max3A_20 = arith.maximumf %add3A_17, %max3A_19 : vector<6400x128xf32>
    %get3A_21 = arith.constant 0 : index
    %get3A_22 = arith.constant 0 : index
    %get3A_23 = vector.load %arg5[%get3A_21, %get3A_22] : memref<128x1xf32, #tpu.memory_space<vmem>>, vector<128x1xf32>
    %dot_general3A_24 = arith.constant dense<0.000000e+00> : vector<6400x1xf32>
    %dot_general3A_25 = tpu.matmul %max3A_20, %get3A_23, %dot_general3A_24 {dimension_numbers = #tpu.dot_dimension_numbers<[1], [0], [0], [1], [0, 0, 1, 1], [], []>, transpose_lhs_hint = false} : vector<6400x128xf32>, vector<128x1xf32>, vector<6400x1xf32> -> vector<6400x1xf32>
    %get3A_26 = arith.constant 0 : index
    %get3A_27 = arith.constant 0 : index
    %get3A_28 = memref.load %arg6[%get3A_26, %get3A_27] : memref<1x1xf32, #tpu.memory_space<smem>>
    %add3A_29 = vector.broadcast %get3A_28 : f32 to vector<6400x1xf32>
    %add3A_30 = arith.addf %dot_general3A_25, %add3A_29 : vector<6400x1xf32>
    %swap3A = arith.constant 0 : index
    %swap3A_31 = arith.constant 0 : index
    %swap3A_32 = vector.load %arg7[%swap3A, %swap3A_31] : memref<6400x1xf32, #tpu.memory_space<vmem>>, vector<6400x1xf32>
    tpu.vector_store %arg7[%swap3A, %swap3A_31], %add3A_30 {strides = array<i32>} : memref<6400x1xf32, #tpu.memory_space<vmem>>, vector<6400x1xf32>,
    return
  }
  func.func @transform_0(%arg0: i32) -> (i32, i32) {
    %c0_i32 = arith.constant 0 : i32
    %c0_i32_0 = arith.constant 0 : i32
    return %arg0, %c0_i32 : i32, i32
  }
  func.func @transform_1(%arg0: i32) -> (i32, i32) {
    %c0_i32 = arith.constant 0 : i32
    %c0_i32_0 = arith.constant 0 : i32
    return %arg0, %c0_i32 : i32, i32
  }
  func.func @transform_2(%arg0: i32) -> (i32, i32) {
    %c0_i32 = arith.constant 0 : i32
    %c0_i32_0 = arith.constant 0 : i32
    %c0_i32_1 = arith.constant 0 : i32
    return %c0_i32, %c0_i32_0 : i32, i32
  }
  func.func @transform_3(%arg0: i32) -> (i32, i32) {
    %c0_i32 = arith.constant 0 : i32
    %c0_i32_0 = arith.constant 0 : i32
    %c0_i32_1 = arith.constant 0 : i32
    return %c0_i32, %c0_i32_0 : i32, i32
  }
  func.func @transform_4(%arg0: i32) -> (i32, i32) {
    %c0_i32 = arith.constant 0 : i32
    %c0_i32_0 = arith.constant 0 : i32
    %c0_i32_1 = arith.constant 0 : i32
    return %c0_i32, %c0_i32_0 : i32, i32
  }
  func.func @transform_5(%arg0: i32) -> (i32, i32) {
    %c0_i32 = arith.constant 0 : i32
    %c0_i32_0 = arith.constant 0 : i32
    %c0_i32_1 = arith.constant 0 : i32
    return %c0_i32, %c0_i32_0 : i32, i32
  }
  func.func @transform_6(%arg0: i32) -> (i32, i32) {
    %c0_i32 = arith.constant 0 : i32
    %c0_i32_0 = arith.constant 0 : i32
    return %arg0, %c0_i32 : i32, i32
  }
}

module attributes {stable_mosaic.version = 14 : i64} {
  func.func @_softmax_kernel(%arg0: i32, %arg1: memref<1000x16xf32, #tpu.memory_space<vmem>>, %arg2: memref<1000x16xf32, #tpu.memory_space<vmem>>, %arg3: memref<1000x16xf32, #tpu.memory_space<vmem>>, %arg4: memref<1x1xf32, #tpu.memory_space<smem>>, %arg5: memref<1000x16xf32, #tpu.memory_space<vmem>>, %arg6: memref<1000x1xf32, #tpu.memory_space<vmem>>) attributes {dimension_semantics = [#tpu.dimension_semantics<arbitrary>], iteration_bounds = array<i64: 10>, scalar_prefetch = 0 : i64, scratch_operands = 0 : i64, tpu.core_type = #tpu.core_type<tc>, window_params = [{transform_indices = @transform_0, window_bounds = array<i64: 1000, 16>}, {transform_indices = @transform_1, window_bounds = array<i64: 1000, 16>}, {transform_indices = @transform_2, window_bounds = array<i64: 1000, 16>}, {transform_indices = @transform_3, window_bounds = array<i64: 1, 1>}, {transform_indices = @transform_4, window_bounds = array<i64: 1000, 16>}, {transform_indices = @transform_5, window_bounds = array<i64: 1000, 1>}]} {
    %get3A = arith.constant 0 : index
    %get3A_0 = arith.constant 0 : index
    %get3A_1 = vector.load %arg1[%get3A, %get3A_0] : memref<1000x16xf32, #tpu.memory_space<vmem>>, vector<1000x16xf32>
    %get3A_2 = arith.constant 0 : index
    %get3A_3 = arith.constant 0 : index
    %get3A_4 = memref.load %arg4[%get3A_2, %get3A_3] : memref<1x1xf32, #tpu.memory_space<smem>>
    %abs3A = math.absf %get3A_1 : vector<1000x16xf32>
    %mul3A = vector.broadcast %get3A_4 : f32 to vector<1000x16xf32>
    %mul3A_5 = arith.mulf %mul3A, %abs3A : vector<1000x16xf32>
    %reduce_max3A = arith.constant dense<0xFF800000> : vector<1000xf32>
    %reduce_max3A_6 = vector.multi_reduction <maximumf>, %mul3A_5, %reduce_max3A [1] : vector<1000x16xf32> to vector<1000xf32>
    %broadcast_in_dim3A = vector.shape_cast %reduce_max3A_6 : vector<1000xf32> to vector<1000x1xf32>
    %sub3A = vector.broadcast %broadcast_in_dim3A : vector<1000x1xf32> to vector<1000x16xf32>
    %sub3A_7 = arith.subf %mul3A_5, %sub3A : vector<1000x16xf32>
    %exp3A = math.exp %sub3A_7 : vector<1000x16xf32>
    %reduce_sum3A = arith.constant dense<0.000000e+00> : vector<1000xf32>
    %reduce_sum3A_8 = vector.multi_reduction <add>, %exp3A, %reduce_sum3A [1] : vector<1000x16xf32> to vector<1000xf32>
    %broadcast_in_dim3A_9 = vector.shape_cast %reduce_sum3A_8 : vector<1000xf32> to vector<1000x1xf32>
    %div3A = vector.broadcast %broadcast_in_dim3A_9 : vector<1000x1xf32> to vector<1000x16xf32>
    %div3A_10 = arith.divf %exp3A, %div3A : vector<1000x16xf32>
    %mul3A_11 = arith.mulf %get3A_1, %div3A_10 : vector<1000x16xf32>
    %get3A_12 = arith.constant 0 : index
    %get3A_13 = arith.constant 0 : index
    %get3A_14 = vector.load %arg2[%get3A_12, %get3A_13] : memref<1000x16xf32, #tpu.memory_space<vmem>>, vector<1000x16xf32>
    %mul3A_15 = arith.mulf %get3A_14, %mul3A_11 : vector<1000x16xf32>
    %reduce_sum3A_16 = arith.constant dense<0.000000e+00> : vector<1000xf32>
    %reduce_sum3A_17 = vector.multi_reduction <add>, %mul3A_15, %reduce_sum3A_16 [1] : vector<1000x16xf32> to vector<1000xf32>
    %broadcast_in_dim3A_18 = vector.shape_cast %reduce_sum3A_17 : vector<1000xf32> to vector<1000x1xf32>
    %swap3A = arith.constant 0 : index
    %swap3A_19 = arith.constant 0 : index
    %swap3A_20 = vector.load %arg6[%swap3A, %swap3A_19] : memref<1000x1xf32, #tpu.memory_space<vmem>>, vector<1000x1xf32>
    tpu.vector_store %arg6[%swap3A, %swap3A_19], %broadcast_in_dim3A_18 {strides = array<i32>} : memref<1000x1xf32, #tpu.memory_space<vmem>>, vector<1000x1xf32>,
    %get3A_21 = arith.constant 0 : index
    %get3A_22 = arith.constant 0 : index
    %get3A_23 = vector.load %arg3[%get3A_21, %get3A_22] : memref<1000x16xf32, #tpu.memory_space<vmem>>, vector<1000x16xf32>
    %mul3A_24 = arith.mulf %mul3A_11, %get3A_23 : vector<1000x16xf32>
    %swap3A_25 = arith.constant 0 : index
    %swap3A_26 = arith.constant 0 : index
    %swap3A_27 = vector.load %arg5[%swap3A_25, %swap3A_26] : memref<1000x16xf32, #tpu.memory_space<vmem>>, vector<1000x16xf32>
    tpu.vector_store %arg5[%swap3A_25, %swap3A_26], %mul3A_24 {strides = array<i32>} : memref<1000x16xf32, #tpu.memory_space<vmem>>, vector<1000x16xf32>,
    return
  }
  func.func @transform_0(%arg0: i32) -> (i32, i32) {
    %c0_i32 = arith.constant 0 : i32
    %c0_i32_0 = arith.constant 0 : i32
    return %arg0, %c0_i32 : i32, i32
  }
  func.func @transform_1(%arg0: i32) -> (i32, i32) {
    %c0_i32 = arith.constant 0 : i32
    %c0_i32_0 = arith.constant 0 : i32
    return %arg0, %c0_i32 : i32, i32
  }
  func.func @transform_2(%arg0: i32) -> (i32, i32) {
    %c0_i32 = arith.constant 0 : i32
    %c0_i32_0 = arith.constant 0 : i32
    return %arg0, %c0_i32 : i32, i32
  }
  func.func @transform_3(%arg0: i32) -> (i32, i32) {
    %c0_i32 = arith.constant 0 : i32
    %c0_i32_0 = arith.constant 0 : i32
    %c0_i32_1 = arith.constant 0 : i32
    return %c0_i32, %c0_i32_0 : i32, i32
  }
  func.func @transform_4(%arg0: i32) -> (i32, i32) {
    %c0_i32 = arith.constant 0 : i32
    %c0_i32_0 = arith.constant 0 : i32
    return %arg0, %c0_i32 : i32, i32
  }
  func.func @transform_5(%arg0: i32) -> (i32, i32) {
    %c0_i32 = arith.constant 0 : i32
    %c0_i32_0 = arith.constant 0 : i32
    return %arg0, %c0_i32 : i32, i32
  }
}

</mosaic_0001>

<sc_bundles>
// kernel: kernel.10.cloned.1.call-start
scs
__scs_entry_jumppad:
0x0: {  	(pc) =	sbr.rel $0x88, $3  }
0x1: {  	(tag) =	ssettag $0x0;
	lr =	simm.s32 $0x1  }
0x2: {  	[smem:$0x3F96] =	sst lr;
	_ =	strace $0xD0000000  }
0x3: {  	_ = 	snop  }
0x4: {  	_ = 	snop  }
0x5: {  	_ = 	snop  }
0x6: {  	_ = 	snop  }
0x7: {  	_ = 	snop  }
__scs_overlays_trampoline_lowered:
0x8: {  	[smem:$0x3FA5] =	sst s0  }
0x9: {  	[smem:$0x3FA6] =	sst s1  }
0xa: {  	[smem:$0x3FA7] =	sst s2  }
0xb: {  	[smem:$0x3FA8] =	sst s3  }
0xc: {  	[smem:$0x3FA9] =	sst s4  }
0xd: {  	[smem:$0x3FAA] =	sst s5  }
0xe: {  	[smem:$0x3FAB] =	sst s6  }
0xf: {  	[smem:$0x3FAC] =	sst s7  }
0x10: {  	[smem:$0x3FAD] =	sst s8  }
0x11: {  	[smem:$0x3FAE] =	sst s9;
	s0 =	simm.s32 @!p0 $0x0  }
0x12: {  	s1 =	sld [smem:$0x3F94];
	s0 =	simm.s32 @p0 $0x1  }
0x13: {  	[smem:$0x3FAF] =	sst s0;
	s0 =	simm.s32 @!p1 $0x0  }
0x14: {  	s2 =	sld [smem:$0x3F93];
	s0 =	simm.s32 @p1 $0x1  }
0x15: {  	[smem:$0x3FB0] =	sst s0;
	s0 =	simm.s32 @!p2 $0x0  }
0x16: {  	s3 =	sld [smem:$0x3FDB];
	s0 =	simm.s32 @p2 $0x1  }
0x17: {  	s4 =	simm.s32 $0x1BF5;
	[smem:$0x3FB2] =	sst s0  }
0x18: {  	s0 =	sld [smem:$0x3F95];
	_ =	swait.ge [sflag:s4], $0x0  }
0x19: {  	s7 =	sld [smem:$0x3F96]  }
0x1a: {  	s8 =	sadd.s32 $0xFFFFE003, lr  }
0x1b: {  	s9 =	sadd.s32 $0xFFFFFEF7, lr;
	s5 =	simm.s32 $0xFFFFFFFF;
	p2 =	slt.u32 s8, $0xFFFFF086  }
0x1c: {  	p1 =	slt.u32 s9, $0xF7A;
	s5 =	simm.s32 @!p2 $0x0  }
0x1d: {  	s5 =	simm.s32 @p1 $0x1;
	p0 =	seq.s32 s7, s2  }
0x1e: {  	s7 =	smul.u32 @!p0 $0xF7A, s2;
	p2 =	seq.s32 @!p0 s5, $0x0  }
0x1f: {  	s9 =	smul.u32 $0xF7A, s1;
	s8 =	simm.s32 @!p0 $0x1BF5;
	p2 =	por !p2, p0  }
0x20: {  	[sflag:s8] =	ssyncset.s32 @!p0 $0xFFFFF086;
	s6 =	sadd.s32 @!p0 s3, s7;
	s7 =	simm.s32 @!p0 $0x108  }
0x21: {  	s3 =	sadd.s32 s3, s9;
	s6 =	sadd.s32 @!p0 $0x88, s6;
	s7 =	simm.s32 @p2 $0x1082  }
0x22: {  	[simem:s7], [sflag:s8] =	dma.local @!p0 [hbm:s6], $0xF7A  }
0x23: {  	s9 =	sor.u32 $0xD0000000, s2;
	s6 =	simm.s32 $0x108;
	_ =	swait.ge @!p0 [sflag:s8], $0x0  }
0x24: {  	s3 =	sadd.s32 $0x88, s3;
	s6 =	simm.s32 @!p1 $0x1082;
	[sflag:s4] =	ssyncset.s32 $0xFFFFF086  }
0x25: {  	[simem:s6], [sflag:s4] =	dma.local [hbm:s3], $0xF7A  }
0x26: {  	[smem:$0x3F96] =	sst s1;
	(tag) =	ssettag s2;
	_ =	strace s9  }
0x27: {  	s1 =	sld [smem:$0x3FA6]  }
0x28: {  	s2 =	sld [smem:$0x3FA7]  }
0x29: {  	s4 =	sld [smem:$0x3FA9]  }
0x2a: {  	p0 =	seq.s32 s5, $0x0;
	s5 =	sld [smem:$0x3FAA]  }
0x2b: {  	s6 =	sld [smem:$0x3FAB]  }
0x2c: {  	s7 =	sld [smem:$0x3FAC]  }
0x2d: {  	s3 =	simm.s32 $0x108;
	s8 =	sld [smem:$0x3FAD]  }
0x2e: {  	s3 =	simm.s32 @!p0 $0x1082;
	s9 =	sld [smem:$0x3FAE]  }
0x2f: {  	lr =	sadd.s32 s0, s3;
	s0 =	sld [smem:$0x3FA5]  }
0x30: {  	s3 =	sld [smem:$0x3FA8]  }
0x31: {  	[smem:$0x3FB1] =	sst s10  }
0x32: {  	s10 =	sld [smem:$0x3FAF];
	_ =	sdelay $0x3  }
0x33: {  	p0 =	seq.s32 s10, $0x1;
	s10 =	sld [smem:$0x3FB1];
	_ =	sdelay $0x3  }
0x34: {  	[smem:$0x3FB1] =	sst s10  }
0x35: {  	s10 =	sld [smem:$0x3FB0];
	_ =	sdelay $0x3  }
0x36: {  	p1 =	seq.s32 s10, $0x1;
	s10 =	sld [smem:$0x3FB1];
	_ =	sdelay $0x3  }
0x37: {  	[smem:$0x3FB1] =	sst s10  }
0x38: {  	s10 =	sld [smem:$0x3FB2]  }
0x39: {  	_ = 	snop;
	(pc) =	sbr.ind lr, $3  }
0x3a: {  	_ = 	snop  }
0x3b: {  	_ = 	snop  }
0x3c: {  	p2 =	seq.s32 s10, $0x1;
	s10 =	sld [smem:$0x3FB1]  }
0x3d: {  	_ =	shalt  }
0x3e: {  	_ =	shalt  }
0x3f: {  	_ =	shalt  }
0x40: {  	_ =	shalt  }
0x41: {  	_ =	shalt  }
0x42: {  	_ =	shalt  }
0x43: {  	_ =	shalt  }
0x44: {  	_ =	shalt  }
0x45: {  	_ =	shalt  }
0x46: {  	_ =	shalt  }
0x47: {  	_ =	shalt  }
0x48: {  	_ =	shalt  }
0x49: {  	_ =	shalt  }
0x4a: {  	_ =	shalt  }
0x4b: {  	_ =	shalt  }
0x4c: {  	_ =	shalt  }
0x4d: {  	_ =	shalt  }
0x4e: {  	_ =	shalt  }
0x4f: {  	_ =	shalt  }
0x50: {  	_ =	shalt  }
0x51: {  	_ =	shalt  }
0x52: {  	_ =	shalt  }
0x53: {  	_ =	shalt  }
0x54: {  	_ =	shalt  }
0x55: {  	_ =	shalt  }
0x56: {  	_ =	shalt  }
0x57: {  	_ =	shalt  }
0x58: {  	_ =	shalt  }
0x59: {  	_ =	shalt  }
0x5a: {  	_ =	shalt  }
0x5b: {  	_ =	shalt  }
0x5c: {  	_ =	shalt  }
0x5d: {  	_ =	shalt  }
0x5e: {  	_ =	shalt  }
0x5f: {  	_ =	shalt  }
0x60: {  	_ =	shalt  }
0x61: {  	_ =	shalt  }
0x62: {  	_ =	shalt  }
0x63: {  	_ =	shalt  }
0x64: {  	_ =	shalt  }
0x65: {  	_ =	shalt  }
0x66: {  	_ =	shalt  }
0x67: {  	_ =	shalt  }
0x68: {  	_ =	shalt  }
0x69: {  	_ =	shalt  }
0x6a: {  	_ =	shalt  }
0x6b: {  	_ =	shalt  }
0x6c: {  	_ =	shalt  }
0x6d: {  	_ =	shalt  }
0x6e: {  	_ =	shalt  }
0x6f: {  	_ =	shalt  }
0x70: {  	_ =	shalt  }
0x71: {  	_ =	shalt  }
0x72: {  	_ =	shalt  }
0x73: {  	_ =	shalt  }
0x74: {  	_ =	shalt  }
0x75: {  	_ =	shalt  }
0x76: {  	_ =	shalt  }
0x77: {  	_ =	shalt  }
0x78: {  	_ =	shalt  }
0x79: {  	_ =	shalt  }
0x7a: {  	_ =	shalt  }
0x7b: {  	_ =	shalt  }
0x7c: {  	_ =	shalt  }
0x7d: {  	_ =	shalt  }
0x7e: {  	_ =	shalt  }
0x7f: {  	_ =	shalt  }
0x80: {  	_ =	shalt  }
0x81: {  	_ =	shalt  }
0x82: {  	_ =	shalt  }
0x83: {  	_ =	shalt  }
0x84: {  	_ =	shalt  }
0x85: {  	_ =	shalt  }
0x86: {  	_ =	shalt  }
0x87: {  	_ =	shalt  }
.Lfunc_end0:
.L_simem_size_0:
called_computation.1_lowered:
.L_overlay_start_0:
0x88: {  	s2 =	sld [smem:$0x3FD9]  }
0x89: {  	s3 =	sld [smem:$0x3FFE];
	_ =	sdelay $0x1  }
0x8a: {  	s1 =	srdreg.scid  }
0x8b: {  	s0 =	sand.u32 $0x1, s1  }
0x8c: {  	s16 =	sshll.u32 s0, $0xA;
	s2 =	sadd.s32 s3, s2  }
0x8d: {  	s2 =	sadd.s32 s2, s16  }
0x8e: {  	[smem:$0x3FBD] =	sst s2  }
0x8f: {  	_ = 	snop  }
0x90: {  	(tm) =	ssettm $0x1  }
0x91: {  	s17 =	sld [smem:$0x3FFB];
	_ =	sdelay $0x3  }
0x92: {  	_ =	strace s17  }
0x93: {  	s2 =	sld [smem:$0x3FFC];
	_ =	sdelay $0x3  }
0x94: {  	_ =	strace s2  }
0x95: {  	s2 =	sld [smem:$0x3FFD];
	_ =	sdelay $0x3  }
0x96: {  	_ =	strace s2  }
0x97: {  	_ =	strace $0x8FFFFFFF  }
0x98: {  	s18 =	sld [smem:$0x3FDB];
	_ =	sdelay $0x1  }
0x99: {  	s19 =	simm.s32 $_scs_section_size  }
0x9a: {  	s4 =	simm.s32 $_size__tile_overlayer_lowered;
	s5 =	simm.s32 $_tile_overlayer_lowered  }
0x9b: {  	s22 =	simm.s32 $0x1BFF;
	s21 =	sshll.u32 s5, $0x1;
	s2 =	sadd.s32 s19, s18  }
0x9c: {  	s6 =	simm.s32 $0x0;
	s20 =	sshll.u32 s4, $0x1;
	s4 =	sadd.s32 s21, s2  }
0x9d: {  	[timem:s6], [sflag:s22] =	dma.local [hbm:s4], s20  }
0x9e: {  	_ =	swait.ge [sflag:s22], s20  }
0x9f: {  	s3 =	ssub.s32 $0x0, s20;
	[sflag:s22] =	ssyncset.done $0x0  }
0xa0: {  	[sflag:s22] =	ssyncadd.s32 s3;
	_ =	sdelay $0x1  }
0xa1: {  	s23 =	simm.s32 $0x1B8B  }
0xa2: {  	_ =	swait.ge [sflag:s23], $0x1  }
0xa3: {  	[sflag:s23] =	ssyncset.done $0x0  }
0xa4: {  	s25 =	simm.s32 $0x1B8E;
	s24 =	sld [smem:$0x3FFE];
	[sflag:s23] =	ssyncadd.s32 $0xFFFFFFFF  }
0xa5: {  	s26 =	simm.s32 $execute0_lowered;
	[smem:$0x3FD2] =	sst s25  }
0xa6: {  	s4 =	sshll.u32 s26, $0x1;
	_ =	strace $0x80000049;
	[dreg:$0x1] =	wrdreg $0xFFFFFFFF  }
0xa7: {  	s28 =	simm.s32 $_size_execute0_lowered;
	s2 =	sadd.s32 s2, s4;
	[dreg:$0x0] =	wrdreg $0x0  }
0xa8: {  	s4 =	sshll.u32 s28, $0x1;
	[dreg:$0x2] =	wrdreg s2  }
0xa9: {  	[dreg:$0x3] =	wrdreg s4  }
0xaa: {  	[dreg:$0x4] =	wrdreg $0xC0  }
0xab: {  	_ =	task [dreg:s6], $0x5FFFF  }
0xac: {  	[dreg:$0x1] =	wrdreg $0xFFFFFFFF  }
0xad: {  	[dreg:$0x0] =	wrdreg $0x60  }
0xae: {  	[dreg:$0x2] =	wrdreg s24  }
0xaf: {  	[dreg:$0x3] =	wrdreg $0x9  }
0xb0: {  	_ =	task.clear_ibuf [dreg:s6], $0x4FFFF;
	_ =	strace $0x90000049  }
0xb1: {  	s29 =	simm.s32 $0x9;
	_ =	strace $0x8000004B  }
0xb2: {  	_ =	swait.ge [sflag:s29], $0x1  }
0xb3: {  	[sflag:s29] =	ssyncadd.s32 $0xFFFFFFFF  }
0xb4: {  	_ =	strace $0x9000004B  }
0xb5: {  	_ =	sfence  }
0xb6: {  	s30 =	sld [smem:$0x0];
	_ =	sdelay $0x2  }
0xb7: {  	s31 =	sshll.u32 s1, $0xD;
	s1 =	sshrl.u32 s1, $0x2  }
0xb8: {  	s3 =	sand.u32 $0x4000, s31;
	s1 =	sadd.s32 s1, s30  }
0xb9: {  	s0 =	sor.u32 s3, s0;
	s1 =	sshll.u32 s1, $0x11  }
0xba: {  	s0 =	sor.u32 s1, s0  }
0xbb: {  	s0 =	sadd.s32 $0x8F2B, s0  }
0xbc: {  	[sflag:s0] =	ssyncadd.remote.s32 $0x1  }
0xbd: {  	_ =	sfence.sel $0xFFFF  }
0xbe: {  	[dreg:$0x0] =	wrdreg $0xFFFFFFFF;
	(pc) =	sbr.abs _section_cstart, $3  }
0xbf: {  	[dreg:$0x1] =	wrdreg $0xFFFFFFFF  }
0xc0: {  	_ =	task.clear_ibuf [dreg:s6], $0x2FFFF;
	_ =	strace $0x9FFFFFFF  }
0xc1: {  	(tm) =	ssettm $0x7FFFFFFF  }
tec
execute0_lowered:
.L_overlay_start_1:
0x0: {  	(tag) =	ssettag $0x1  }
0x1: {  	s1 =	srdreg.scid;
	s0 =	stileid.u32  }
0x2: {  	s5 =	sand.u32 $0x1, s1;
	s31 =	sshll.u32 s0, $0x1  }
0x3: {  	s1 =	sor.u32 s5, s31  }
0x4: {  	s7 =	rddreg [dreg:$0x0];
	s2 =	simm.s32 $0x0;
	s3 =	smul.u32 $0x271, s1  }
0x5: {  	s4 =	simm.s32 $0x2;
	[smem:$0x7FF] =	sst s2  }
0x6: {  	s8 =	ssub.s32 $0x2, s5;
	s1 =	rddreg [dreg:$0x1];
	s6 =	sadd.s32 s3, s7  }
0x7: {  	_ =	strace $0x8000004A;
	s9 =	sshrl.u32 s8, $0x1;
	s3 =	sadd.s32 $0x2CB600, s6  }
0x8: {  	[tilespmem:s2], [sflag:$0x2] =	stream.linear.gather [hbm4b:s3+s2], $0x1388, $0x38;
	[tilespmem:$0x2800] =	vst v63  }
0x9: {  	s8 =	ssub.s32 s8, s9;
	_ =	swait.ge [sflag:s4], $0x1388  }
0xa: {  	s10 =	smax.u32 s8, $0x1;
	[sflag:s4] =	ssyncset.done $0x0  }
0xb: {  	s5 =	sadd.s32 $0x1800, s6;
	s6 =	simm.s32 $0x1400;
	[sflag:s4] =	ssyncadd.s32 $0xFFFFEC78  }
0xc: {  	[tilespmem:s6], [sflag:$0x2] =	stream.linear.gather [hbm4b:s5+s2], $0x1388, $0x38;
	[tilespmem:$0x2800] =	vst v63  }
0xd: {  	p0 =	sne.s32 s10, $0x1;
	_ =	swait.ge [sflag:s4], $0x1388  }
.Ltmp0:
0xe: {  	s9 =	simm.s32 $0x1388;
	[sflag:s4] =	ssyncset.done $0x0;
	(pc) =	sbr.rel @!p0 .LBB2_2-.Ltmp0, $4  }
0xf: {  	s7 =	sadd.s32 $0x2D0600, s7;
	s8 =	simm.s32 $0x1;
	[sflag:s4] =	ssyncadd.s32 $0xFFFFEC78  }
0x10: {  	[hbm4b:s7+s9] =	stream.indirect.scatter [tilespmem:s6], [sflag:$0x1], $0x1, s2, s9, $0xb8;
	[tilespmem:$0x2800] =	vst v63  }
0x11: {  	_ =	swait.ge [sflag:s8], $0x1388  }
0x12: {  	s10 =	sadd.s32 $0xFFFFFFFF, s10;
	[sflag:s8] =	ssyncset.done $0x0  }
.LBB2_1:
0x13: {  	p0 =	sne.s32 s10, $0x1;
	s10 =	sadd.s32 $0xFFFFFFFF, s10;
	[sflag:s8] =	ssyncadd.s32 $0xFFFFEC78  }
0x14: {  	[tilespmem:s2], [sflag:$0x2] =	stream.linear.gather [hbm4b:s3+s2], $0x1388, $0x38;
	[tilespmem:$0x2800] =	vst v63  }
0x15: {  	_ =	swait.ge [sflag:s4], $0x1388  }
0x16: {  	[sflag:s4] =	ssyncset.done $0x0  }
0x17: {  	[sflag:s4] =	ssyncadd.s32 $0xFFFFEC78  }
0x18: {  	[tilespmem:s6], [sflag:$0x2] =	stream.linear.gather [hbm4b:s5+s2], $0x1388, $0x38;
	[tilespmem:$0x2800] =	vst v63  }
0x19: {  	_ =	swait.ge [sflag:s4], $0x1388  }
.Ltmp1:
0x1a: {  	[sflag:s4] =	ssyncset.done $0x0;
	(pc) =	sbr.rel @p0 .LBB2_1-.Ltmp1, $4  }
0x1b: {  	[sflag:s4] =	ssyncadd.s32 $0xFFFFEC78  }
0x1c: {  	[hbm4b:s7+s9] =	stream.indirect.scatter [tilespmem:s6], [sflag:$0x1], $0x1, s2, s9, $0xb8;
	[tilespmem:$0x2800] =	vst v63  }
0x1d: {  	_ =	swait.ge [sflag:s8], $0x1388  }
0x1e: {  	[sflag:s8] =	ssyncset.done $0x0  }
.LBB2_2:
0x1f: {  	[sflag:s8] =	ssyncadd.s32 $0xFFFFEC78  }
0x20: {  	_ =	sfence.sel $0x180000  }
0x21: {  	[bflag:$0x0] =	sbarrier.arrive $0xFFFF  }
0x22: {  	p0 =	sne.s32 s0, $0x0;
	_ =	strace $0x9000004A  }
0x23: {  	s0 =	sadd.s32 @!p0 $0x100000, s1;
	[bflag:$0x2] =	sbarrier.arrive $0xFFFF  }
0x24: {  	[sflag:s0] =	ssyncadd.tile.s32 @!p0 $0x1;
	_ =	shalt  }
.Lfunc_end2:
_tile_overlayer_lowered:
.L_overlay_start_2:
0x25: {  	(tag) =	ssettag $0x2  }
0x26: {  	s0 =	rddreg [dreg:$0x0];
	s2 =	stileid.u32  }
0x27: {  	s1 =	rddreg [dreg:$0x1];
	p0 =	sne.s32 s2, $0x0  }
0x28: {  	s3 =	rddreg [dreg:$0x2];
	[bflag:$0x3] =	sbarrier.arrive $0xFFFF;
	s2 =	simm.s32 @!p0 $0x1C02  }
0x29: {  	[timem:s3], [sflag:s2] =	dma.local @!p0 [hbm:s0], s1  }
0x2a: {  	s0 =	simm.s32 @!p0 $0x2  }
0x2b: {  	_ =	swait.ge @!p0 [sflag:s0], s1  }
0x2c: {  	s1 =	ssub.s32 @!p0 $0x0, s1;
	[sflag:s0] =	ssyncset.done @!p0 $0x0  }
0x2d: {  	[sflag:s0] =	ssyncadd.s32 @!p0 s1  }
0x2e: {  	[bflag:$0x3] =	sbarrier.arrive $0xFFFF  }
0x2f: {  	_ =	shalt  }

// kernel: kernel.7.cloned.1.call-start
scs
__scs_entry_jumppad:
0x0: {  	(pc) =	sbr.rel $0x88, $3  }
0x1: {  	(tag) =	ssettag $0x0;
	lr =	simm.s32 $0x1  }
0x2: {  	[smem:$0x3F96] =	sst lr;
	_ =	strace $0xD0000000  }
0x3: {  	_ = 	snop  }
0x4: {  	_ = 	snop  }
0x5: {  	_ = 	snop  }
0x6: {  	_ = 	snop  }
0x7: {  	_ = 	snop  }
__scs_overlays_trampoline_lowered:
0x8: {  	[smem:$0x3FA5] =	sst s0  }
0x9: {  	[smem:$0x3FA6] =	sst s1  }
0xa: {  	[smem:$0x3FA7] =	sst s2  }
0xb: {  	[smem:$0x3FA8] =	sst s3  }
0xc: {  	[smem:$0x3FA9] =	sst s4  }
0xd: {  	[smem:$0x3FAA] =	sst s5  }
0xe: {  	[smem:$0x3FAB] =	sst s6  }
0xf: {  	[smem:$0x3FAC] =	sst s7  }
0x10: {  	[smem:$0x3FAD] =	sst s8  }
0x11: {  	[smem:$0x3FAE] =	sst s9;
	s0 =	simm.s32 @!p0 $0x0  }
0x12: {  	s1 =	sld [smem:$0x3F94];
	s0 =	simm.s32 @p0 $0x1  }
0x13: {  	[smem:$0x3FAF] =	sst s0;
	s0 =	simm.s32 @!p1 $0x0  }
0x14: {  	s2 =	sld [smem:$0x3F93];
	s0 =	simm.s32 @p1 $0x1  }
0x15: {  	[smem:$0x3FB0] =	sst s0;
	s0 =	simm.s32 @!p2 $0x0  }
0x16: {  	s3 =	sld [smem:$0x3FDB];
	s0 =	simm.s32 @p2 $0x1  }
0x17: {  	s4 =	simm.s32 $0x1BF5;
	[smem:$0x3FB2] =	sst s0  }
0x18: {  	s0 =	sld [smem:$0x3F95];
	_ =	swait.ge [sflag:s4], $0x0  }
0x19: {  	s7 =	sld [smem:$0x3F96]  }
0x1a: {  	s8 =	sadd.s32 $0xFFFFE003, lr  }
0x1b: {  	s9 =	sadd.s32 $0xFFFFFEF7, lr;
	s5 =	simm.s32 $0xFFFFFFFF;
	p2 =	slt.u32 s8, $0xFFFFF086  }
0x1c: {  	p1 =	slt.u32 s9, $0xF7A;
	s5 =	simm.s32 @!p2 $0x0  }
0x1d: {  	s5 =	simm.s32 @p1 $0x1;
	p0 =	seq.s32 s7, s2  }
0x1e: {  	s7 =	smul.u32 @!p0 $0xF7A, s2;
	p2 =	seq.s32 @!p0 s5, $0x0  }
0x1f: {  	s9 =	smul.u32 $0xF7A, s1;
	s8 =	simm.s32 @!p0 $0x1BF5;
	p2 =	por !p2, p0  }
0x20: {  	[sflag:s8] =	ssyncset.s32 @!p0 $0xFFFFF086;
	s6 =	sadd.s32 @!p0 s3, s7;
	s7 =	simm.s32 @!p0 $0x108  }
0x21: {  	s3 =	sadd.s32 s3, s9;
	s6 =	sadd.s32 @!p0 $0x88, s6;
	s7 =	simm.s32 @p2 $0x1082  }
0x22: {  	[simem:s7], [sflag:s8] =	dma.local @!p0 [hbm:s6], $0xF7A  }
0x23: {  	s9 =	sor.u32 $0xD0000000, s2;
	s6 =	simm.s32 $0x108;
	_ =	swait.ge @!p0 [sflag:s8], $0x0  }
0x24: {  	s3 =	sadd.s32 $0x88, s3;
	s6 =	simm.s32 @!p1 $0x1082;
	[sflag:s4] =	ssyncset.s32 $0xFFFFF086  }
0x25: {  	[simem:s6], [sflag:s4] =	dma.local [hbm:s3], $0xF7A  }
0x26: {  	[smem:$0x3F96] =	sst s1;
	(tag) =	ssettag s2;
	_ =	strace s9  }
0x27: {  	s1 =	sld [smem:$0x3FA6]  }
0x28: {  	s2 =	sld [smem:$0x3FA7]  }
0x29: {  	s4 =	sld [smem:$0x3FA9]  }
0x2a: {  	p0 =	seq.s32 s5, $0x0;
	s5 =	sld [smem:$0x3FAA]  }
0x2b: {  	s6 =	sld [smem:$0x3FAB]  }
0x2c: {  	s7 =	sld [smem:$0x3FAC]  }
0x2d: {  	s3 =	simm.s32 $0x108;
	s8 =	sld [smem:$0x3FAD]  }
0x2e: {  	s3 =	simm.s32 @!p0 $0x1082;
	s9 =	sld [smem:$0x3FAE]  }
0x2f: {  	lr =	sadd.s32 s0, s3;
	s0 =	sld [smem:$0x3FA5]  }
0x30: {  	s3 =	sld [smem:$0x3FA8]  }
0x31: {  	[smem:$0x3FB1] =	sst s10  }
0x32: {  	s10 =	sld [smem:$0x3FAF];
	_ =	sdelay $0x3  }
0x33: {  	p0 =	seq.s32 s10, $0x1;
	s10 =	sld [smem:$0x3FB1];
	_ =	sdelay $0x3  }
0x34: {  	[smem:$0x3FB1] =	sst s10  }
0x35: {  	s10 =	sld [smem:$0x3FB0];
	_ =	sdelay $0x3  }
0x36: {  	p1 =	seq.s32 s10, $0x1;
	s10 =	sld [smem:$0x3FB1];
	_ =	sdelay $0x3  }
0x37: {  	[smem:$0x3FB1] =	sst s10  }
0x38: {  	s10 =	sld [smem:$0x3FB2]  }
0x39: {  	_ = 	snop;
	(pc) =	sbr.ind lr, $3  }
0x3a: {  	_ = 	snop  }
0x3b: {  	_ = 	snop  }
0x3c: {  	p2 =	seq.s32 s10, $0x1;
	s10 =	sld [smem:$0x3FB1]  }
0x3d: {  	_ =	shalt  }
0x3e: {  	_ =	shalt  }
0x3f: {  	_ =	shalt  }
0x40: {  	_ =	shalt  }
0x41: {  	_ =	shalt  }
0x42: {  	_ =	shalt  }
0x43: {  	_ =	shalt  }
0x44: {  	_ =	shalt  }
0x45: {  	_ =	shalt  }
0x46: {  	_ =	shalt  }
0x47: {  	_ =	shalt  }
0x48: {  	_ =	shalt  }
0x49: {  	_ =	shalt  }
0x4a: {  	_ =	shalt  }
0x4b: {  	_ =	shalt  }
0x4c: {  	_ =	shalt  }
0x4d: {  	_ =	shalt  }
0x4e: {  	_ =	shalt  }
0x4f: {  	_ =	shalt  }
0x50: {  	_ =	shalt  }
0x51: {  	_ =	shalt  }
0x52: {  	_ =	shalt  }
0x53: {  	_ =	shalt  }
0x54: {  	_ =	shalt  }
0x55: {  	_ =	shalt  }
0x56: {  	_ =	shalt  }
0x57: {  	_ =	shalt  }
0x58: {  	_ =	shalt  }
0x59: {  	_ =	shalt  }
0x5a: {  	_ =	shalt  }
0x5b: {  	_ =	shalt  }
0x5c: {  	_ =	shalt  }
0x5d: {  	_ =	shalt  }
0x5e: {  	_ =	shalt  }
0x5f: {  	_ =	shalt  }
0x60: {  	_ =	shalt  }
0x61: {  	_ =	shalt  }
0x62: {  	_ =	shalt  }
0x63: {  	_ =	shalt  }
0x64: {  	_ =	shalt  }
0x65: {  	_ =	shalt  }
0x66: {  	_ =	shalt  }
0x67: {  	_ =	shalt  }
0x68: {  	_ =	shalt  }
0x69: {  	_ =	shalt  }
0x6a: {  	_ =	shalt  }
0x6b: {  	_ =	shalt  }
0x6c: {  	_ =	shalt  }
0x6d: {  	_ =	shalt  }
0x6e: {  	_ =	shalt  }
0x6f: {  	_ =	shalt  }
0x70: {  	_ =	shalt  }
0x71: {  	_ =	shalt  }
0x72: {  	_ =	shalt  }
0x73: {  	_ =	shalt  }
0x74: {  	_ =	shalt  }
0x75: {  	_ =	shalt  }
0x76: {  	_ =	shalt  }
0x77: {  	_ =	shalt  }
0x78: {  	_ =	shalt  }
0x79: {  	_ =	shalt  }
0x7a: {  	_ =	shalt  }
0x7b: {  	_ =	shalt  }
0x7c: {  	_ =	shalt  }
0x7d: {  	_ =	shalt  }
0x7e: {  	_ =	shalt  }
0x7f: {  	_ =	shalt  }
0x80: {  	_ =	shalt  }
0x81: {  	_ =	shalt  }
0x82: {  	_ =	shalt  }
0x83: {  	_ =	shalt  }
0x84: {  	_ =	shalt  }
0x85: {  	_ =	shalt  }
0x86: {  	_ =	shalt  }
0x87: {  	_ =	shalt  }
.Lfunc_end0:
.L_simem_size_0:
called_computation_lowered:
.L_overlay_start_0:
0x88: {  	s2 =	sld [smem:$0x3FD9]  }
0x89: {  	s3 =	sld [smem:$0x3FFE];
	_ =	sdelay $0x1  }
0x8a: {  	s1 =	srdreg.scid  }
0x8b: {  	s0 =	sand.u32 $0x1, s1  }
0x8c: {  	s14 =	sshll.u32 s0, $0xA;
	s2 =	sadd.s32 s3, s2  }
0x8d: {  	s2 =	sadd.s32 s2, s14  }
0x8e: {  	[smem:$0x3FBD] =	sst s2  }
0x8f: {  	_ = 	snop  }
0x90: {  	s2 =	sld [smem:$0x3FD0];
	_ =	sdelay $0x2  }
0x91: {  	s15 =	simm.s32 $0xA;
	s4 =	simm.s32 $0x10  }
0x92: {  	[smem:s4], [sflag:s15] =	dma.local [hbm:s2], $0x1  }
0x93: {  	_ =	swait.eq [sflag:s15], $0x1  }
0x94: {  	[sflag:s15] =	ssyncset.done $0x0  }
0x95: {  	s16 =	sld [smem:$0x10];
	[sflag:s15] =	ssyncadd.s32 $0xFFFFFFFF  }
0x96: {  	s17 =	sld [smem:$0x11];
	(tm) =	ssettm $0x1  }
0x97: {  	s18 =	sld [smem:$0x3FFB];
	_ =	sdelay $0x3  }
0x98: {  	_ =	strace s18  }
0x99: {  	s4 =	sld [smem:$0x3FFC];
	_ =	sdelay $0x3  }
0x9a: {  	_ =	strace s4  }
0x9b: {  	s4 =	sld [smem:$0x3FFD];
	_ =	sdelay $0x3  }
0x9c: {  	_ =	strace s4  }
0x9d: {  	_ =	strace $0x8FFFFFFF  }
0x9e: {  	s19 =	sld [smem:$0x3FDB];
	_ =	sdelay $0x1  }
0x9f: {  	s5 =	simm.s32 $_scs_section_size  }
0xa0: {  	s6 =	simm.s32 $_size__tile_overlayer_lowered;
	s7 =	simm.s32 $_tile_overlayer_lowered  }
0xa1: {  	s22 =	simm.s32 $0x1BFF;
	s21 =	sshll.u32 s7, $0x1;
	s4 =	sadd.s32 s5, s19  }
0xa2: {  	s8 =	simm.s32 $0x0;
	s20 =	sshll.u32 s6, $0x1;
	s6 =	sadd.s32 s21, s4  }
0xa3: {  	[timem:s8], [sflag:s22] =	dma.local [hbm:s6], s20  }
0xa4: {  	_ =	swait.ge [sflag:s22], s20  }
0xa5: {  	s5 =	ssub.s32 $0x0, s20;
	[sflag:s22] =	ssyncset.done $0x0  }
0xa6: {  	[sflag:s22] =	ssyncadd.s32 s5;
	_ =	sdelay $0x1  }
0xa7: {  	s23 =	simm.s32 $0x1B8B  }
0xa8: {  	_ =	swait.ge [sflag:s23], $0x1  }
0xa9: {  	[sflag:s23] =	ssyncset.done $0x0  }
0xaa: {  	s25 =	simm.s32 $0x1B8E;
	s24 =	sld [smem:$0x3FFE];
	[sflag:s23] =	ssyncadd.s32 $0xFFFFFFFF  }
0xab: {  	s26 =	simm.s32 $execute0_lowered;
	[smem:$0x3FD2] =	sst s25  }
0xac: {  	s6 =	sshll.u32 s26, $0x1;
	_ =	strace $0x80000046;
	[dreg:$0x1] =	wrdreg $0xFFFFFFFF  }
0xad: {  	s28 =	simm.s32 $_size_execute0_lowered;
	s4 =	sadd.s32 s4, s6;
	[dreg:$0x0] =	wrdreg $0x0  }
0xae: {  	s6 =	sshll.u32 s28, $0x1;
	[dreg:$0x2] =	wrdreg s4  }
0xaf: {  	[dreg:$0x3] =	wrdreg s6  }
0xb0: {  	[dreg:$0x4] =	wrdreg $0xC0  }
0xb1: {  	_ =	task [dreg:s8], $0x5FFFF  }
0xb2: {  	[dreg:$0x1] =	wrdreg $0xFFFFFFFF  }
0xb3: {  	[dreg:$0x0] =	wrdreg $0x60  }
0xb4: {  	[dreg:$0x2] =	wrdreg s24  }
0xb5: {  	[dreg:$0x3] =	wrdreg s16  }
0xb6: {  	[dreg:$0x4] =	wrdreg s17  }
0xb7: {  	[dreg:$0x5] =	wrdreg $0x9  }
0xb8: {  	_ =	task.clear_ibuf [dreg:s8], $0x6FFFF;
	_ =	strace $0x90000046  }
0xb9: {  	s29 =	simm.s32 $0x9;
	_ =	strace $0x80000048  }
0xba: {  	_ =	swait.ge [sflag:s29], $0x1  }
0xbb: {  	[sflag:s29] =	ssyncadd.s32 $0xFFFFFFFF  }
0xbc: {  	_ =	strace $0x90000048  }
0xbd: {  	_ =	sfence  }
0xbe: {  	s30 =	sld [smem:$0x0];
	_ =	sdelay $0x2  }
0xbf: {  	s31 =	sshll.u32 s1, $0xD;
	s1 =	sshrl.u32 s1, $0x2  }
0xc0: {  	s3 =	sand.u32 $0x4000, s31;
	s1 =	sadd.s32 s1, s30  }
0xc1: {  	s0 =	sor.u32 s3, s0;
	s1 =	sshll.u32 s1, $0x11  }
0xc2: {  	s0 =	sor.u32 s1, s0  }
0xc3: {  	s0 =	sadd.s32 $0x8F2B, s0  }
0xc4: {  	[sflag:s0] =	ssyncadd.remote.s32 $0x1  }
0xc5: {  	_ =	sfence.sel $0xFFFF  }
0xc6: {  	[dreg:$0x0] =	wrdreg $0xFFFFFFFF;
	(pc) =	sbr.abs _section_cstart, $3  }
0xc7: {  	[dreg:$0x1] =	wrdreg $0xFFFFFFFF  }
0xc8: {  	_ =	task.clear_ibuf [dreg:s8], $0x2FFFF;
	_ =	strace $0x9FFFFFFF  }
0xc9: {  	(tm) =	ssettm $0x7FFFFFFF  }
tec
execute0_lowered:
.L_overlay_start_1:
0x0: {  	(tag) =	ssettag $0x1  }
0x1: {  	s2 =	srdreg.scid;
	s16 =	stileid.u32  }
0x2: {  	s4 =	sand.u32 $0x1, s2;
	s5 =	sshll.u32 s16, $0x1  }
0x3: {  	s1 =	rddreg [dreg:$0x0];
	s5 =	sor.u32 s4, s5  }
0x4: {  	s0 =	rddreg [dreg:$0x1];
	s6 =	smul.u32 $0x271, s5  }
0x5: {  	s3 =	rddreg [dreg:$0x2];
	s8 =	smul.u32 $0x9C400, s5  }
0x6: {  	[dreg:$0x5] =	wrdreg s0;
	s2 =	simm.s32 $0x0;
	s23 =	smul.u32 $0x13880, s5  }
0x7: {  	s7 =	sadd.s32 $0x2E000, s1;
	[smem:$0x7FF] =	sst s2;
	s17 =	smul.u32 $0x28, s5  }
0x8: {  	s9 =	sadd.s32 $0x55200, s1;
	_ =	strace $0x80000047;
	s5 =	smul.u32 $0x1400, s5  }
0x9: {  	[dreg:$0x4] =	wrdreg s7;
	s6 =	sadd.s32 s6, s1;
	s7 =	sadd.s32 s9, s23  }
0xa: {  	s8 =	sshrl.u32 s8, $0x3;
	s3 =	sadd.s32 s3, s5;
	[dreg:$0x7] =	wrdreg s7  }
0xb: {  	s10 =	sadd.s32 $0x1800, s6;
	s8 =	sadd.s32 s9, s8;
	[dreg:$0x18] =	wrdreg s3  }
0xc: {  	[dreg:$0x6] =	wrdreg s10;
	s24 =	sadd.s32 $0x1400, s8  }
0xd: {  	s25 =	sadd.s32 $0x2800, s8;
	[dreg:$0x8] =	wrdreg s24  }
0xe: {  	s26 =	sadd.s32 $0x3C00, s8;
	[dreg:$0x9] =	wrdreg s25  }
0xf: {  	s0 =	sadd.s32 $0x5000, s8;
	[dreg:$0xa] =	wrdreg s26  }
0x10: {  	s9 =	sadd.s32 $0x6400, s8;
	[dreg:$0xb] =	wrdreg s0  }
0x11: {  	s31 =	simm.s32 $0x280;
	s10 =	sadd.s32 $0x7800, s8;
	[dreg:$0xc] =	wrdreg s9  }
0x12: {  	s30 =	simm.s32 $0x3C0;
	s11 =	sadd.s32 $0x8C00, s8;
	[dreg:$0xd] =	wrdreg s10  }
0x13: {  	s29 =	simm.s32 $0x500;
	s12 =	sadd.s32 $0xA000, s8;
	[dreg:$0xe] =	wrdreg s11  }
0x14: {  	s28 =	simm.s32 $0x640;
	s13 =	sadd.s32 $0xB400, s8;
	[dreg:$0xf] =	wrdreg s12  }
0x15: {  	p0 =	por $0x0, $0x0;
	s14 =	sadd.s32 $0xC800, s8;
	[dreg:$0x10] =	wrdreg s13  }
0x16: {  	s4 =	ssub.s32 $0x2, s4;
	s15 =	sadd.s32 $0xDC00, s8;
	[dreg:$0x11] =	wrdreg s14  }
0x17: {  	s23 =	sshrl.u32 s4, $0x1;
	s18 =	sadd.s32 $0xF000, s8;
	[dreg:$0x12] =	wrdreg s15  }
0x18: {  	s5 =	simm.s32 $0x1580;
	s19 =	sadd.s32 $0x10400, s8;
	[dreg:$0x13] =	wrdreg s18  }
0x19: {  	s3 =	simm.s32 $0x7;
	s20 =	sadd.s32 $0x11800, s8;
	[dreg:$0x14] =	wrdreg s19  }
0x1a: {  	s7 =	simm.s32 $0x6;
	s21 =	sadd.s32 $0x12C00, s8;
	[dreg:$0x15] =	wrdreg s20  }
0x1b: {  	s8 =	simm.s32 $0x5;
	s9 =	sadd.s32 s17, s1;
	[dreg:$0x16] =	wrdreg s21  }
0x1c: {  	s24 =	sadd.s32 $0x2C6200, s6;
	s25 =	ssub.s32 s4, s23;
	s26 =	simm.s32 $0x1388  }
0x1d: {  	s4 =	simm.s32 $0x15580;
	s6 =	simm.s32 $0x140;
	s10 =	simm.s32 $0xB580  }
0x1e: {  	s13 =	simm.s32 $0x3;
	s12 =	simm.s32 $0x4;
	s23 =	simm.s32 $0xB40  }
0x1f: {  	s22 =	sadd.s32 $0x2DA00, s9;
	s9 =	sadd.s32 $0x6800, s1;
	s1 =	smax.u32 s25, $0x1  }
0x20: {  	s21 =	simm.s32 $0xDC0;
	s20 =	simm.s32 $0xF00;
	p1 =	sne.s32 s1, $0x1  }
.Ltmp0:
0x21: {  	s19 =	simm.s32 $0x1040;
	s18 =	simm.s32 $0x1180;
	(pc) =	sbr.rel @!p1 .LBB2_5-.Ltmp0, $4  }
0x22: {  	s17 =	simm.s32 $0x12C0;
	s15 =	simm.s32 $0x1400;
	[dreg:$0x19] =	wrdreg s24  }
0x23: {  	s14 =	simm.s32 $0x2;
	s11 =	simm.s32 $0x1;
	[dreg:$0x1a] =	wrdreg s26  }
0x24: {  	s26 =	simm.s32 $0x780;
	s25 =	simm.s32 $0x8C0;
	s24 =	simm.s32 $0xA00  }
0x25: {  	[dreg:$0x17] =	wrdreg s22;
	s22 =	simm.s32 $0xC80;
	s0 =	sadd.s32 $0xFFFFFFFF, s1  }
0x26: {  	s1 =	rddreg [dreg:$0x6]  }
0x27: {  	[tilespmem:s2], [sflag:$0x7] =	stream.linear.gather [hbm4b:s1+s2], $0x1388, $0x38;
	[tilespmem:$0x16980] =	vst v63  }
0x28: {  	_ =	swait.ge [sflag:s3], $0x1388  }
0x29: {  	s16 =	smov.u32 s0;
	s0 =	rddreg [dreg:$0x5];
	[sflag:s3] =	ssyncset.done $0x0  }
0x2a: {  	s1 =	rddreg [dreg:$0x1a];
	[sflag:s3] =	ssyncadd.s32 $0xFFFFEC78  }
0x2b: {  	[tilespmem:s4], [sflag:$0x1] =	stream.indirect.gather [hbm4b:s0+s1], $0x1, s2, s1, $0xb8;
	[tilespmem:$0x16980] =	vst v63  }
0x2c: {  	_ = 	snop  }
0x2d: {  	[tilespmem:s5], [sflag:$0x3] =	stream.indirect.gather [hbm4b:s9+s6], $0x80, s2, s6, $0xb8;
	[tilespmem:$0x16980] =	vst v63  }
0x2e: {  	_ = 	snop  }
0x2f: {  	[tilespmem:s10], [sflag:$0x4] =	stream.indirect.gather [hbm4b:s9+s6], $0x80, s6, s6, $0xb8;
	[tilespmem:$0x16980] =	vst v63  }
0x30: {  	_ =	swait.ge [sflag:s13], $0xA000  }
0x31: {  	[sflag:s13] =	ssyncset.done $0x0  }
0x32: {  	s1 =	rddreg [dreg:$0x7];
	[sflag:s13] =	ssyncadd.s32 $0xFFFF6000  }
0x33: {  	[hbm4b:s1+s2] =	stream.linear.scatter [tilespmem:s5], [sflag:$0x5], $0xA000, $0x38;
	[tilespmem:$0x16980] =	vst v63  }
0x34: {  	_ =	swait.ge [sflag:s8], $0xA000  }
0x35: {  	[sflag:s8] =	ssyncset.done $0x0  }
0x36: {  	[sflag:s8] =	ssyncadd.s32 $0xFFFF6000  }
0x37: {  	[tilespmem:s5], [sflag:$0x3] =	stream.indirect.gather [hbm4b:s9+s6], $0x80, s31, s6, $0xb8;
	[tilespmem:$0x16980] =	vst v63  }
0x38: {  	_ =	swait.ge [sflag:s12], $0xA000  }
0x39: {  	[sflag:s12] =	ssyncset.done $0x0  }
0x3a: {  	s1 =	rddreg [dreg:$0x8];
	[sflag:s12] =	ssyncadd.s32 $0xFFFF6000  }
0x3b: {  	[hbm4b:s1+s2] =	stream.linear.scatter [tilespmem:s10], [sflag:$0x6], $0xA000, $0x38;
	[tilespmem:$0x16980] =	vst v63  }
0x3c: {  	_ =	swait.ge [sflag:s7], $0xA000  }
0x3d: {  	[sflag:s7] =	ssyncset.done $0x0  }
0x3e: {  	[sflag:s7] =	ssyncadd.s32 $0xFFFF6000  }
0x3f: {  	[tilespmem:s10], [sflag:$0x4] =	stream.indirect.gather [hbm4b:s9+s6], $0x80, s30, s6, $0xb8;
	[tilespmem:$0x16980] =	vst v63  }
0x40: {  	_ =	swait.ge [sflag:s13], $0xA000  }
0x41: {  	[sflag:s13] =	ssyncset.done $0x0  }
0x42: {  	s1 =	rddreg [dreg:$0x9];
	[sflag:s13] =	ssyncadd.s32 $0xFFFF6000  }
0x43: {  	[hbm4b:s1+s2] =	stream.linear.scatter [tilespmem:s5], [sflag:$0x5], $0xA000, $0x38;
	[tilespmem:$0x16980] =	vst v63  }
0x44: {  	_ =	swait.ge [sflag:s8], $0xA000  }
0x45: {  	[sflag:s8] =	ssyncset.done $0x0  }
0x46: {  	[sflag:s8] =	ssyncadd.s32 $0xFFFF6000  }
0x47: {  	[tilespmem:s5], [sflag:$0x3] =	stream.indirect.gather [hbm4b:s9+s6], $0x80, s29, s6, $0xb8;
	[tilespmem:$0x16980] =	vst v63  }
0x48: {  	_ =	swait.ge [sflag:s12], $0xA000  }
0x49: {  	[sflag:s12] =	ssyncset.done $0x0  }
0x4a: {  	s1 =	rddreg [dreg:$0xa];
	[sflag:s12] =	ssyncadd.s32 $0xFFFF6000  }
0x4b: {  	[hbm4b:s1+s2] =	stream.linear.scatter [tilespmem:s10], [sflag:$0x6], $0xA000, $0x38;
	[tilespmem:$0x16980] =	vst v63  }
0x4c: {  	_ =	swait.ge [sflag:s7], $0xA000  }
0x4d: {  	[sflag:s7] =	ssyncset.done $0x0  }
0x4e: {  	[sflag:s7] =	ssyncadd.s32 $0xFFFF6000  }
0x4f: {  	[tilespmem:s10], [sflag:$0x4] =	stream.indirect.gather [hbm4b:s9+s6], $0x80, s28, s6, $0xb8;
	[tilespmem:$0x16980] =	vst v63  }
0x50: {  	_ =	swait.ge [sflag:s13], $0xA000  }
0x51: {  	[sflag:s13] =	ssyncset.done $0x0  }
0x52: {  	s1 =	rddreg [dreg:$0xb];
	[sflag:s13] =	ssyncadd.s32 $0xFFFF6000  }
0x53: {  	[hbm4b:s1+s2] =	stream.linear.scatter [tilespmem:s5], [sflag:$0x5], $0xA000, $0x38;
	[tilespmem:$0x16980] =	vst v63  }
0x54: {  	_ =	swait.ge [sflag:s8], $0xA000  }
0x55: {  	[sflag:s8] =	ssyncset.done $0x0  }
0x56: {  	[sflag:s8] =	ssyncadd.s32 $0xFFFF6000  }
0x57: {  	[tilespmem:s5], [sflag:$0x3] =	stream.indirect.gather [hbm4b:s9+s6], $0x80, s26, s6, $0xb8;
	[tilespmem:$0x16980] =	vst v63  }
0x58: {  	_ =	swait.ge [sflag:s12], $0xA000  }
0x59: {  	[sflag:s12] =	ssyncset.done $0x0  }
0x5a: {  	s1 =	rddreg [dreg:$0xc];
	[sflag:s12] =	ssyncadd.s32 $0xFFFF6000  }
0x5b: {  	[hbm4b:s1+s2] =	stream.linear.scatter [tilespmem:s10], [sflag:$0x6], $0xA000, $0x38;
	[tilespmem:$0x16980] =	vst v63  }
0x5c: {  	_ =	swait.ge [sflag:s7], $0xA000  }
0x5d: {  	[sflag:s7] =	ssyncset.done $0x0  }
0x5e: {  	[sflag:s7] =	ssyncadd.s32 $0xFFFF6000  }
0x5f: {  	[tilespmem:s10], [sflag:$0x4] =	stream.indirect.gather [hbm4b:s9+s6], $0x80, s25, s6, $0xb8;
	[tilespmem:$0x16980] =	vst v63  }
0x60: {  	_ =	swait.ge [sflag:s13], $0xA000  }
0x61: {  	[sflag:s13] =	ssyncset.done $0x0  }
0x62: {  	s1 =	rddreg [dreg:$0xd];
	[sflag:s13] =	ssyncadd.s32 $0xFFFF6000  }
0x63: {  	[hbm4b:s1+s2] =	stream.linear.scatter [tilespmem:s5], [sflag:$0x5], $0xA000, $0x38;
	[tilespmem:$0x16980] =	vst v63  }
0x64: {  	_ =	swait.ge [sflag:s8], $0xA000  }
0x65: {  	[sflag:s8] =	ssyncset.done $0x0  }
0x66: {  	[sflag:s8] =	ssyncadd.s32 $0xFFFF6000  }
0x67: {  	[tilespmem:s5], [sflag:$0x3] =	stream.indirect.gather [hbm4b:s9+s6], $0x80, s24, s6, $0xb8;
	[tilespmem:$0x16980] =	vst v63  }
0x68: {  	_ =	swait.ge [sflag:s12], $0xA000  }
0x69: {  	[sflag:s12] =	ssyncset.done $0x0  }
0x6a: {  	s1 =	rddreg [dreg:$0xe];
	[sflag:s12] =	ssyncadd.s32 $0xFFFF6000  }
0x6b: {  	[hbm4b:s1+s2] =	stream.linear.scatter [tilespmem:s10], [sflag:$0x6], $0xA000, $0x38;
	[tilespmem:$0x16980] =	vst v63  }
0x6c: {  	_ =	swait.ge [sflag:s7], $0xA000  }
0x6d: {  	[sflag:s7] =	ssyncset.done $0x0  }
0x6e: {  	[sflag:s7] =	ssyncadd.s32 $0xFFFF6000  }
0x6f: {  	[tilespmem:s10], [sflag:$0x4] =	stream.indirect.gather [hbm4b:s9+s6], $0x80, s23, s6, $0xb8;
	[tilespmem:$0x16980] =	vst v63  }
0x70: {  	_ =	swait.ge [sflag:s13], $0xA000  }
0x71: {  	[sflag:s13] =	ssyncset.done $0x0  }
0x72: {  	s1 =	rddreg [dreg:$0xf];
	[sflag:s13] =	ssyncadd.s32 $0xFFFF6000  }
0x73: {  	[hbm4b:s1+s2] =	stream.linear.scatter [tilespmem:s5], [sflag:$0x5], $0xA000, $0x38;
	[tilespmem:$0x16980] =	vst v63  }
0x74: {  	_ =	swait.ge [sflag:s8], $0xA000  }
0x75: {  	[sflag:s8] =	ssyncset.done $0x0  }
0x76: {  	[sflag:s8] =	ssyncadd.s32 $0xFFFF6000  }
0x77: {  	[tilespmem:s5], [sflag:$0x3] =	stream.indirect.gather [hbm4b:s9+s6], $0x80, s22, s6, $0xb8;
	[tilespmem:$0x16980] =	vst v63  }
0x78: {  	_ =	swait.ge [sflag:s12], $0xA000  }
0x79: {  	[sflag:s12] =	ssyncset.done $0x0  }
0x7a: {  	s1 =	rddreg [dreg:$0x10];
	[sflag:s12] =	ssyncadd.s32 $0xFFFF6000  }
0x7b: {  	[hbm4b:s1+s2] =	stream.linear.scatter [tilespmem:s10], [sflag:$0x6], $0xA000, $0x38;
	[tilespmem:$0x16980] =	vst v63  }
0x7c: {  	_ =	swait.ge [sflag:s7], $0xA000  }
0x7d: {  	[sflag:s7] =	ssyncset.done $0x0  }
0x7e: {  	[sflag:s7] =	ssyncadd.s32 $0xFFFF6000  }
0x7f: {  	[tilespmem:s10], [sflag:$0x4] =	stream.indirect.gather [hbm4b:s9+s6], $0x80, s21, s6, $0xb8;
	[tilespmem:$0x16980] =	vst v63  }
0x80: {  	_ =	swait.ge [sflag:s13], $0xA000  }
0x81: {  	[sflag:s13] =	ssyncset.done $0x0  }
0x82: {  	s1 =	rddreg [dreg:$0x11];
	[sflag:s13] =	ssyncadd.s32 $0xFFFF6000  }
0x83: {  	[hbm4b:s1+s2] =	stream.linear.scatter [tilespmem:s5], [sflag:$0x5], $0xA000, $0x38;
	[tilespmem:$0x16980] =	vst v63  }
0x84: {  	_ =	swait.ge [sflag:s8], $0xA000  }
0x85: {  	[sflag:s8] =	ssyncset.done $0x0  }
0x86: {  	[sflag:s8] =	ssyncadd.s32 $0xFFFF6000  }
0x87: {  	[tilespmem:s5], [sflag:$0x3] =	stream.indirect.gather [hbm4b:s9+s6], $0x80, s20, s6, $0xb8;
	[tilespmem:$0x16980] =	vst v63  }
0x88: {  	_ =	swait.ge [sflag:s12], $0xA000  }
0x89: {  	[sflag:s12] =	ssyncset.done $0x0  }
0x8a: {  	s1 =	rddreg [dreg:$0x12];
	[sflag:s12] =	ssyncadd.s32 $0xFFFF6000  }
0x8b: {  	[hbm4b:s1+s2] =	stream.linear.scatter [tilespmem:s10], [sflag:$0x6], $0xA000, $0x38;
	[tilespmem:$0x16980] =	vst v63  }
0x8c: {  	_ =	swait.ge [sflag:s7], $0xA000  }
0x8d: {  	[sflag:s7] =	ssyncset.done $0x0  }
0x8e: {  	[sflag:s7] =	ssyncadd.s32 $0xFFFF6000  }
0x8f: {  	[tilespmem:s10], [sflag:$0x4] =	stream.indirect.gather [hbm4b:s9+s6], $0x80, s19, s6, $0xb8;
	[tilespmem:$0x16980] =	vst v63  }
0x90: {  	_ =	swait.ge [sflag:s13], $0xA000  }
0x91: {  	[sflag:s13] =	ssyncset.done $0x0  }
0x92: {  	s1 =	rddreg [dreg:$0x13];
	[sflag:s13] =	ssyncadd.s32 $0xFFFF6000  }
0x93: {  	[hbm4b:s1+s2] =	stream.linear.scatter [tilespmem:s5], [sflag:$0x5], $0xA000, $0x38;
	[tilespmem:$0x16980] =	vst v63  }
0x94: {  	_ =	swait.ge [sflag:s8], $0xA000  }
0x95: {  	[sflag:s8] =	ssyncset.done $0x0  }
0x96: {  	[sflag:s8] =	ssyncadd.s32 $0xFFFF6000  }
0x97: {  	[tilespmem:s5], [sflag:$0x3] =	stream.indirect.gather [hbm4b:s9+s6], $0x80, s18, s6, $0xb8;
	[tilespmem:$0x16980] =	vst v63  }
0x98: {  	_ =	swait.ge [sflag:s12], $0xA000  }
0x99: {  	[sflag:s12] =	ssyncset.done $0x0  }
0x9a: {  	s1 =	rddreg [dreg:$0x14];
	[sflag:s12] =	ssyncadd.s32 $0xFFFF6000  }
0x9b: {  	[hbm4b:s1+s2] =	stream.linear.scatter [tilespmem:s10], [sflag:$0x6], $0xA000, $0x38;
	[tilespmem:$0x16980] =	vst v63  }
0x9c: {  	_ =	swait.ge [sflag:s7], $0xA000  }
0x9d: {  	[sflag:s7] =	ssyncset.done $0x0  }
0x9e: {  	s1 =	simm.s32 $0xC8;
	[sflag:s7] =	ssyncadd.s32 $0xFFFF6000  }
0x9f: {  	[tilespmem:s10], [sflag:$0x4] =	stream.indirect.gather [hbm4b:s9+s1], $0x80, s17, s1, $0xb8;
	[tilespmem:$0x16980] =	vst v63  }
0xa0: {  	_ =	swait.ge [sflag:s13], $0xA000  }
0xa1: {  	[sflag:s13] =	ssyncset.done $0x0  }
0xa2: {  	s1 =	rddreg [dreg:$0x15];
	[sflag:s13] =	ssyncadd.s32 $0xFFFF6000  }
0xa3: {  	[hbm4b:s1+s2] =	stream.linear.scatter [tilespmem:s5], [sflag:$0x5], $0xA000, $0x38;
	[tilespmem:$0x16980] =	vst v63  }
0xa4: {  	_ =	swait.ge [sflag:s12], $0x6400  }
0xa5: {  	[sflag:s12] =	ssyncset.done $0x0  }
0xa6: {  	s1 =	rddreg [dreg:$0x16];
	[sflag:s12] =	ssyncadd.s32 $0xFFFF9C00  }
0xa7: {  	[hbm4b:s1+s2] =	stream.linear.scatter [tilespmem:s10], [sflag:$0x6], $0x6400, $0x38;
	[tilespmem:$0x16980] =	vst v63  }
0xa8: {  	_ =	swait.ge [sflag:s8], $0xA000  }
0xa9: {  	[sflag:s8] =	ssyncset.done $0x0  }
0xaa: {  	[sflag:s8] =	ssyncadd.s32 $0xFFFF6000  }
0xab: {  	_ =	swait.ge [sflag:s7], $0x6400  }
0xac: {  	[sflag:s7] =	ssyncset.done $0x0  }
0xad: {  	s1 =	rddreg [dreg:$0x17];
	[sflag:s7] =	ssyncadd.s32 $0xFFFF9C00  }
0xae: {  	[tilespmem:s15], [sflag:$0x7] =	stream.linear.gather [hbm4b:s1+s2], $0x140, $0x38;
	[tilespmem:$0x16980] =	vst v63  }
0xaf: {  	_ =	swait.ge [sflag:s3], $0x140  }
0xb0: {  	[sflag:s3] =	ssyncset.done $0x0  }
0xb1: {  	s1 =	rddreg [dreg:$0x4];
	[sflag:s3] =	ssyncadd.s32 $0xFFFFFEC0  }
0xb2: {  	[tilespmem:s5], [sflag:$0x2] =	stream.indirect.gather [hbm4b:s1+s6], $0x80, s15, s6, $0xb8;
	[tilespmem:$0x16980] =	vst v63  }
0xb3: {  	_ =	swait.ge [sflag:s14], $0xA000  }
0xb4: {  	[sflag:s14] =	ssyncset.done $0x0  }
0xb5: {  	s1 =	rddreg [dreg:$0x18];
	[sflag:s14] =	ssyncadd.s32 $0xFFFF6000  }
0xb6: {  	[hbm4b:s1+s2] =	stream.linear.scatter [tilespmem:s5], [sflag:$0x7], $0xA000, $0x38;
	[tilespmem:$0x16980] =	vst v63  }
0xb7: {  	_ =	swait.ge [sflag:s3], $0xA000  }
0xb8: {  	[sflag:s3] =	ssyncset.done $0x0  }
0xb9: {  	p1 =	sne.s32 s16, $0x1;
	[sflag:s3] =	ssyncadd.s32 $0xFFFF6000  }
.Ltmp1:
0xba: {  	_ =	swait.ge [sflag:s11], $0x1388;
	(pc) =	sbr.rel @!p1 .LBB2_2-.Ltmp1, $4  }
0xbb: {  	[sflag:s11] =	ssyncset.done $0x0  }
0xbc: {  	s1 =	rddreg [dreg:$0x19];
	[sflag:s11] =	ssyncadd.s32 $0xFFFFEC78  }
0xbd: {  	[hbm4b:s1+s2] =	stream.linear.scatter [tilespmem:s4], [sflag:$0x7], $0x1388, $0x38;
	[tilespmem:$0x16980] =	vst v63  }
0xbe: {  	p0 =	por $0x1, $0x1;
	s1 =	sadd.s32 $0xFFFFFFFF, s16;
	_ =	swait.ge [sflag:s3], $0x1388  }
.LBB2_3:
0xbf: {  	[sflag:s3] =	ssyncset.done $0x0  }
0xc0: {  	s0 =	rddreg [dreg:$0x6];
	[sflag:s3] =	ssyncadd.s32 $0xFFFFEC78  }
0xc1: {  	[tilespmem:s2], [sflag:$0x7] =	stream.linear.gather [hbm4b:s0+s2], $0x1388, $0x38;
	[tilespmem:$0x16980] =	vst v63  }
0xc2: {  	_ =	swait.ge [sflag:s3], $0x1388  }
0xc3: {  	s0 =	rddreg [dreg:$0x5];
	[sflag:s3] =	ssyncset.done $0x0  }
0xc4: {  	s16 =	rddreg [dreg:$0x1a];
	[sflag:s3] =	ssyncadd.s32 $0xFFFFEC78  }
0xc5: {  	[tilespmem:s4], [sflag:$0x1] =	stream.indirect.gather [hbm4b:s0+s16], $0x1, s2, s16, $0xb8;
	[tilespmem:$0x16980] =	vst v63  }
0xc6: {  	_ = 	snop  }
0xc7: {  	[tilespmem:s5], [sflag:$0x3] =	stream.indirect.gather [hbm4b:s9+s6], $0x80, s2, s6, $0xb8;
	[tilespmem:$0x16980] =	vst v63  }
0xc8: {  	_ = 	snop  }
0xc9: {  	[tilespmem:s10], [sflag:$0x4] =	stream.indirect.gather [hbm4b:s9+s6], $0x80, s6, s6, $0xb8;
	[tilespmem:$0x16980] =	vst v63  }
0xca: {  	_ =	swait.ge [sflag:s13], $0xA000  }
0xcb: {  	[sflag:s13] =	ssyncset.done $0x0  }
0xcc: {  	s16 =	rddreg [dreg:$0x7];
	[sflag:s13] =	ssyncadd.s32 $0xFFFF6000  }
0xcd: {  	[hbm4b:s16+s2] =	stream.linear.scatter [tilespmem:s5], [sflag:$0x5], $0xA000, $0x38;
	[tilespmem:$0x16980] =	vst v63  }
0xce: {  	_ =	swait.ge [sflag:s8], $0xA000  }
0xcf: {  	[sflag:s8] =	ssyncset.done $0x0  }
0xd0: {  	[sflag:s8] =	ssyncadd.s32 $0xFFFF6000  }
0xd1: {  	[tilespmem:s5], [sflag:$0x3] =	stream.indirect.gather [hbm4b:s9+s6], $0x80, s31, s6, $0xb8;
	[tilespmem:$0x16980] =	vst v63  }
0xd2: {  	_ =	swait.ge [sflag:s12], $0xA000  }
0xd3: {  	[sflag:s12] =	ssyncset.done $0x0  }
0xd4: {  	s16 =	rddreg [dreg:$0x8];
	[sflag:s12] =	ssyncadd.s32 $0xFFFF6000  }
0xd5: {  	[hbm4b:s16+s2] =	stream.linear.scatter [tilespmem:s10], [sflag:$0x6], $0xA000, $0x38;
	[tilespmem:$0x16980] =	vst v63  }
0xd6: {  	_ =	swait.ge [sflag:s7], $0xA000  }
0xd7: {  	[sflag:s7] =	ssyncset.done $0x0  }
0xd8: {  	[sflag:s7] =	ssyncadd.s32 $0xFFFF6000  }
0xd9: {  	[tilespmem:s10], [sflag:$0x4] =	stream.indirect.gather [hbm4b:s9+s6], $0x80, s30, s6, $0xb8;
	[tilespmem:$0x16980] =	vst v63  }
0xda: {  	_ =	swait.ge [sflag:s13], $0xA000  }
0xdb: {  	[sflag:s13] =	ssyncset.done $0x0  }
0xdc: {  	s16 =	rddreg [dreg:$0x9];
	[sflag:s13] =	ssyncadd.s32 $0xFFFF6000  }
0xdd: {  	[hbm4b:s16+s2] =	stream.linear.scatter [tilespmem:s5], [sflag:$0x5], $0xA000, $0x38;
	[tilespmem:$0x16980] =	vst v63  }
0xde: {  	_ =	swait.ge [sflag:s8], $0xA000  }
0xdf: {  	[sflag:s8] =	ssyncset.done $0x0  }
0xe0: {  	[sflag:s8] =	ssyncadd.s32 $0xFFFF6000  }
0xe1: {  	[tilespmem:s5], [sflag:$0x3] =	stream.indirect.gather [hbm4b:s9+s6], $0x80, s29, s6, $0xb8;
	[tilespmem:$0x16980] =	vst v63  }
0xe2: {  	_ =	swait.ge [sflag:s12], $0xA000  }
0xe3: {  	[sflag:s12] =	ssyncset.done $0x0  }
0xe4: {  	s16 =	rddreg [dreg:$0xa];
	[sflag:s12] =	ssyncadd.s32 $0xFFFF6000  }
0xe5: {  	[hbm4b:s16+s2] =	stream.linear.scatter [tilespmem:s10], [sflag:$0x6], $0xA000, $0x38;
	[tilespmem:$0x16980] =	vst v63  }
0xe6: {  	_ =	swait.ge [sflag:s7], $0xA000  }
0xe7: {  	[sflag:s7] =	ssyncset.done $0x0  }
0xe8: {  	[sflag:s7] =	ssyncadd.s32 $0xFFFF6000  }
0xe9: {  	[tilespmem:s10], [sflag:$0x4] =	stream.indirect.gather [hbm4b:s9+s6], $0x80, s28, s6, $0xb8;
	[tilespmem:$0x16980] =	vst v63  }
0xea: {  	_ =	swait.ge [sflag:s13], $0xA000  }
0xeb: {  	[sflag:s13] =	ssyncset.done $0x0  }
0xec: {  	s16 =	rddreg [dreg:$0xb];
	[sflag:s13] =	ssyncadd.s32 $0xFFFF6000  }
0xed: {  	[hbm4b:s16+s2] =	stream.linear.scatter [tilespmem:s5], [sflag:$0x5], $0xA000, $0x38;
	[tilespmem:$0x16980] =	vst v63  }
0xee: {  	_ =	swait.ge [sflag:s8], $0xA000  }
0xef: {  	[sflag:s8] =	ssyncset.done $0x0  }
0xf0: {  	[sflag:s8] =	ssyncadd.s32 $0xFFFF6000  }
0xf1: {  	[tilespmem:s5], [sflag:$0x3] =	stream.indirect.gather [hbm4b:s9+s6], $0x80, s26, s6, $0xb8;
	[tilespmem:$0x16980] =	vst v63  }
0xf2: {  	_ =	swait.ge [sflag:s12], $0xA000  }
0xf3: {  	[sflag:s12] =	ssyncset.done $0x0  }
0xf4: {  	s16 =	rddreg [dreg:$0xc];
	[sflag:s12] =	ssyncadd.s32 $0xFFFF6000  }
0xf5: {  	[hbm4b:s16+s2] =	stream.linear.scatter [tilespmem:s10], [sflag:$0x6], $0xA000, $0x38;
	[tilespmem:$0x16980] =	vst v63  }
0xf6: {  	_ =	swait.ge [sflag:s7], $0xA000  }
0xf7: {  	[sflag:s7] =	ssyncset.done $0x0  }
0xf8: {  	[sflag:s7] =	ssyncadd.s32 $0xFFFF6000  }
0xf9: {  	[tilespmem:s10], [sflag:$0x4] =	stream.indirect.gather [hbm4b:s9+s6], $0x80, s25, s6, $0xb8;
	[tilespmem:$0x16980] =	vst v63  }
0xfa: {  	_ =	swait.ge [sflag:s13], $0xA000  }
0xfb: {  	[sflag:s13] =	ssyncset.done $0x0  }
0xfc: {  	s16 =	rddreg [dreg:$0xd];
	[sflag:s13] =	ssyncadd.s32 $0xFFFF6000  }
0xfd: {  	[hbm4b:s16+s2] =	stream.linear.scatter [tilespmem:s5], [sflag:$0x5], $0xA000, $0x38;
	[tilespmem:$0x16980] =	vst v63  }
0xfe: {  	_ =	swait.ge [sflag:s8], $0xA000  }
0xff: {  	[sflag:s8] =	ssyncset.done $0x0  }
0x100: {  	[sflag:s8] =	ssyncadd.s32 $0xFFFF6000  }
0x101: {  	[tilespmem:s5], [sflag:$0x3] =	stream.indirect.gather [hbm4b:s9+s6], $0x80, s24, s6, $0xb8;
	[tilespmem:$0x16980] =	vst v63  }
0x102: {  	_ =	swait.ge [sflag:s12], $0xA000  }
0x103: {  	[sflag:s12] =	ssyncset.done $0x0  }
0x104: {  	s16 =	rddreg [dreg:$0xe];
	[sflag:s12] =	ssyncadd.s32 $0xFFFF6000  }
0x105: {  	[hbm4b:s16+s2] =	stream.linear.scatter [tilespmem:s10], [sflag:$0x6], $0xA000, $0x38;
	[tilespmem:$0x16980] =	vst v63  }
0x106: {  	_ =	swait.ge [sflag:s7], $0xA000  }
0x107: {  	[sflag:s7] =	ssyncset.done $0x0  }
0x108: {  	[sflag:s7] =	ssyncadd.s32 $0xFFFF6000  }
0x109: {  	[tilespmem:s10], [sflag:$0x4] =	stream.indirect.gather [hbm4b:s9+s6], $0x80, s23, s6, $0xb8;
	[tilespmem:$0x16980] =	vst v63  }
0x10a: {  	_ =	swait.ge [sflag:s13], $0xA000  }
0x10b: {  	[sflag:s13] =	ssyncset.done $0x0  }
0x10c: {  	s16 =	rddreg [dreg:$0xf];
	[sflag:s13] =	ssyncadd.s32 $0xFFFF6000  }
0x10d: {  	[hbm4b:s16+s2] =	stream.linear.scatter [tilespmem:s5], [sflag:$0x5], $0xA000, $0x38;
	[tilespmem:$0x16980] =	vst v63  }
0x10e: {  	_ =	swait.ge [sflag:s8], $0xA000  }
0x10f: {  	[sflag:s8] =	ssyncset.done $0x0  }
0x110: {  	[sflag:s8] =	ssyncadd.s32 $0xFFFF6000  }
0x111: {  	[tilespmem:s5], [sflag:$0x3] =	stream.indirect.gather [hbm4b:s9+s6], $0x80, s22, s6, $0xb8;
	[tilespmem:$0x16980] =	vst v63  }
0x112: {  	_ =	swait.ge [sflag:s12], $0xA000  }
0x113: {  	[sflag:s12] =	ssyncset.done $0x0  }
0x114: {  	s16 =	rddreg [dreg:$0x10];
	[sflag:s12] =	ssyncadd.s32 $0xFFFF6000  }
0x115: {  	[hbm4b:s16+s2] =	stream.linear.scatter [tilespmem:s10], [sflag:$0x6], $0xA000, $0x38;
	[tilespmem:$0x16980] =	vst v63  }
0x116: {  	_ =	swait.ge [sflag:s7], $0xA000  }
0x117: {  	[sflag:s7] =	ssyncset.done $0x0  }
0x118: {  	[sflag:s7] =	ssyncadd.s32 $0xFFFF6000  }
0x119: {  	[tilespmem:s10], [sflag:$0x4] =	stream.indirect.gather [hbm4b:s9+s6], $0x80, s21, s6, $0xb8;
	[tilespmem:$0x16980] =	vst v63  }
0x11a: {  	_ =	swait.ge [sflag:s13], $0xA000  }
0x11b: {  	[sflag:s13] =	ssyncset.done $0x0  }
0x11c: {  	s16 =	rddreg [dreg:$0x11];
	[sflag:s13] =	ssyncadd.s32 $0xFFFF6000  }
0x11d: {  	[hbm4b:s16+s2] =	stream.linear.scatter [tilespmem:s5], [sflag:$0x5], $0xA000, $0x38;
	[tilespmem:$0x16980] =	vst v63  }
0x11e: {  	_ =	swait.ge [sflag:s8], $0xA000  }
0x11f: {  	[sflag:s8] =	ssyncset.done $0x0  }
0x120: {  	[sflag:s8] =	ssyncadd.s32 $0xFFFF6000  }
0x121: {  	[tilespmem:s5], [sflag:$0x3] =	stream.indirect.gather [hbm4b:s9+s6], $0x80, s20, s6, $0xb8;
	[tilespmem:$0x16980] =	vst v63  }
0x122: {  	_ =	swait.ge [sflag:s12], $0xA000  }
0x123: {  	[sflag:s12] =	ssyncset.done $0x0  }
0x124: {  	s16 =	rddreg [dreg:$0x12];
	[sflag:s12] =	ssyncadd.s32 $0xFFFF6000  }
0x125: {  	[hbm4b:s16+s2] =	stream.linear.scatter [tilespmem:s10], [sflag:$0x6], $0xA000, $0x38;
	[tilespmem:$0x16980] =	vst v63  }
0x126: {  	_ =	swait.ge [sflag:s7], $0xA000  }
0x127: {  	[sflag:s7] =	ssyncset.done $0x0  }
0x128: {  	[sflag:s7] =	ssyncadd.s32 $0xFFFF6000  }
0x129: {  	[tilespmem:s10], [sflag:$0x4] =	stream.indirect.gather [hbm4b:s9+s6], $0x80, s19, s6, $0xb8;
	[tilespmem:$0x16980] =	vst v63  }
0x12a: {  	_ =	swait.ge [sflag:s13], $0xA000  }
0x12b: {  	[sflag:s13] =	ssyncset.done $0x0  }
0x12c: {  	s16 =	rddreg [dreg:$0x13];
	[sflag:s13] =	ssyncadd.s32 $0xFFFF6000  }
0x12d: {  	[hbm4b:s16+s2] =	stream.linear.scatter [tilespmem:s5], [sflag:$0x5], $0xA000, $0x38;
	[tilespmem:$0x16980] =	vst v63  }
0x12e: {  	_ =	swait.ge [sflag:s8], $0xA000  }
0x12f: {  	[sflag:s8] =	ssyncset.done $0x0  }
0x130: {  	[sflag:s8] =	ssyncadd.s32 $0xFFFF6000  }
0x131: {  	[tilespmem:s5], [sflag:$0x3] =	stream.indirect.gather [hbm4b:s9+s6], $0x80, s18, s6, $0xb8;
	[tilespmem:$0x16980] =	vst v63  }
0x132: {  	_ =	swait.ge [sflag:s12], $0xA000  }
0x133: {  	[sflag:s12] =	ssyncset.done $0x0  }
0x134: {  	s16 =	rddreg [dreg:$0x14];
	[sflag:s12] =	ssyncadd.s32 $0xFFFF6000  }
0x135: {  	[hbm4b:s16+s2] =	stream.linear.scatter [tilespmem:s10], [sflag:$0x6], $0xA000, $0x38;
	[tilespmem:$0x16980] =	vst v63  }
0x136: {  	_ =	swait.ge [sflag:s7], $0xA000  }
0x137: {  	[sflag:s7] =	ssyncset.done $0x0  }
0x138: {  	s16 =	simm.s32 $0xC8;
	[sflag:s7] =	ssyncadd.s32 $0xFFFF6000  }
0x139: {  	[tilespmem:s10], [sflag:$0x4] =	stream.indirect.gather [hbm4b:s9+s16], $0x80, s17, s16, $0xb8;
	[tilespmem:$0x16980] =	vst v63  }
0x13a: {  	_ =	swait.ge [sflag:s13], $0xA000  }
0x13b: {  	[sflag:s13] =	ssyncset.done $0x0  }
0x13c: {  	s16 =	rddreg [dreg:$0x15];
	[sflag:s13] =	ssyncadd.s32 $0xFFFF6000  }
0x13d: {  	[hbm4b:s16+s2] =	stream.linear.scatter [tilespmem:s5], [sflag:$0x5], $0xA000, $0x38;
	[tilespmem:$0x16980] =	vst v63  }
0x13e: {  	_ =	swait.ge [sflag:s12], $0x6400  }
0x13f: {  	[sflag:s12] =	ssyncset.done $0x0  }
0x140: {  	s16 =	rddreg [dreg:$0x16];
	[sflag:s12] =	ssyncadd.s32 $0xFFFF9C00  }
0x141: {  	[hbm4b:s16+s2] =	stream.linear.scatter [tilespmem:s10], [sflag:$0x6], $0x6400, $0x38;
	[tilespmem:$0x16980] =	vst v63  }
0x142: {  	_ =	swait.ge [sflag:s8], $0xA000  }
0x143: {  	[sflag:s8] =	ssyncset.done $0x0  }
0x144: {  	[sflag:s8] =	ssyncadd.s32 $0xFFFF6000  }
0x145: {  	_ =	swait.ge [sflag:s7], $0x6400  }
0x146: {  	[sflag:s7] =	ssyncset.done $0x0  }
0x147: {  	s16 =	rddreg [dreg:$0x17];
	[sflag:s7] =	ssyncadd.s32 $0xFFFF9C00  }
0x148: {  	[tilespmem:s15], [sflag:$0x7] =	stream.linear.gather [hbm4b:s16+s2], $0x140, $0x38;
	[tilespmem:$0x16980] =	vst v63  }
0x149: {  	_ =	swait.ge [sflag:s3], $0x140  }
0x14a: {  	[sflag:s3] =	ssyncset.done $0x0  }
0x14b: {  	s16 =	rddreg [dreg:$0x4];
	[sflag:s3] =	ssyncadd.s32 $0xFFFFFEC0  }
0x14c: {  	[tilespmem:s5], [sflag:$0x2] =	stream.indirect.gather [hbm4b:s16+s6], $0x80, s15, s6, $0xb8;
	[tilespmem:$0x16980] =	vst v63  }
0x14d: {  	_ =	swait.ge [sflag:s14], $0xA000  }
0x14e: {  	[sflag:s14] =	ssyncset.done $0x0  }
0x14f: {  	s16 =	rddreg [dreg:$0x18];
	[sflag:s14] =	ssyncadd.s32 $0xFFFF6000  }
0x150: {  	[hbm4b:s16+s2] =	stream.linear.scatter [tilespmem:s5], [sflag:$0x7], $0xA000, $0x38;
	[tilespmem:$0x16980] =	vst v63  }
0x151: {  	_ =	swait.ge [sflag:s3], $0xA000  }
0x152: {  	[sflag:s3] =	ssyncset.done $0x0  }
0x153: {  	p1 =	sne.s32 s1, $0x1;
	[sflag:s3] =	ssyncadd.s32 $0xFFFF6000  }
.Ltmp2:
0x154: {  	_ =	swait.ge [sflag:s11], $0x1388;
	(pc) =	sbr.rel @p1 .LBB2_3-.Ltmp2, $4  }
0x155: {  	[sflag:s11] =	ssyncset.done $0x0  }
0x156: {  	s16 =	rddreg [dreg:$0x19];
	[sflag:s11] =	ssyncadd.s32 $0xFFFFEC78  }
0x157: {  	[hbm4b:s16+s2] =	stream.linear.scatter [tilespmem:s4], [sflag:$0x7], $0x1388, $0x38;
	[tilespmem:$0x16980] =	vst v63  }
0x158: {  	s1 =	sadd.s32 $0xFFFFFFFF, s1;
	_ =	swait.ge [sflag:s3], $0x1388  }
0x159: {  	s16 =	stileid.u32  }
.LBB2_5:
0x15a: {  	[sflag:s3] =	ssyncset.done @p0 $0x0  }
0x15b: {  	s0 =	rddreg [dreg:$0x6];
	[sflag:s3] =	ssyncadd.s32 @p0 $0xFFFFEC78  }
0x15c: {  	[tilespmem:s2], [sflag:$0x7] =	stream.linear.gather [hbm4b:s0+s2], $0x1388, $0x38;
	[tilespmem:$0x16980] =	vst v63  }
0x15d: {  	_ =	swait.ge [sflag:s3], $0x1388  }
0x15e: {  	s0 =	rddreg [dreg:$0x5];
	[sflag:s3] =	ssyncset.done $0x0  }
0x15f: {  	s1 =	rddreg [dreg:$0x1a];
	[sflag:s3] =	ssyncadd.s32 $0xFFFFEC78  }
0x160: {  	[tilespmem:s4], [sflag:$0x1] =	stream.indirect.gather [hbm4b:s0+s1], $0x1, s2, s1, $0xb8;
	[tilespmem:$0x16980] =	vst v63  }
0x161: {  	_ = 	snop  }
0x162: {  	[tilespmem:s5], [sflag:$0x3] =	stream.indirect.gather [hbm4b:s9+s6], $0x80, s2, s6, $0xb8;
	[tilespmem:$0x16980] =	vst v63  }
0x163: {  	_ = 	snop  }
0x164: {  	[tilespmem:s10], [sflag:$0x4] =	stream.indirect.gather [hbm4b:s9+s6], $0x80, s6, s6, $0xb8;
	[tilespmem:$0x16980] =	vst v63  }
0x165: {  	_ =	swait.ge [sflag:s13], $0xA000  }
0x166: {  	[sflag:s13] =	ssyncset.done $0x0  }
0x167: {  	s1 =	rddreg [dreg:$0x7];
	[sflag:s13] =	ssyncadd.s32 $0xFFFF6000  }
0x168: {  	[hbm4b:s1+s2] =	stream.linear.scatter [tilespmem:s5], [sflag:$0x5], $0xA000, $0x38;
	[tilespmem:$0x16980] =	vst v63  }
0x169: {  	_ =	swait.ge [sflag:s8], $0xA000  }
0x16a: {  	[sflag:s8] =	ssyncset.done $0x0  }
0x16b: {  	[sflag:s8] =	ssyncadd.s32 $0xFFFF6000  }
0x16c: {  	[tilespmem:s5], [sflag:$0x3] =	stream.indirect.gather [hbm4b:s9+s6], $0x80, s31, s6, $0xb8;
	[tilespmem:$0x16980] =	vst v63  }
0x16d: {  	_ =	swait.ge [sflag:s12], $0xA000  }
0x16e: {  	[sflag:s12] =	ssyncset.done $0x0  }
0x16f: {  	s1 =	rddreg [dreg:$0x8];
	[sflag:s12] =	ssyncadd.s32 $0xFFFF6000  }
0x170: {  	[hbm4b:s1+s2] =	stream.linear.scatter [tilespmem:s10], [sflag:$0x6], $0xA000, $0x38;
	[tilespmem:$0x16980] =	vst v63  }
0x171: {  	_ =	swait.ge [sflag:s7], $0xA000  }
0x172: {  	[sflag:s7] =	ssyncset.done $0x0  }
0x173: {  	[sflag:s7] =	ssyncadd.s32 $0xFFFF6000  }
0x174: {  	[tilespmem:s10], [sflag:$0x4] =	stream.indirect.gather [hbm4b:s9+s6], $0x80, s30, s6, $0xb8;
	[tilespmem:$0x16980] =	vst v63  }
0x175: {  	_ =	swait.ge [sflag:s13], $0xA000  }
0x176: {  	[sflag:s13] =	ssyncset.done $0x0  }
0x177: {  	s30 =	rddreg [dreg:$0x9];
	[sflag:s13] =	ssyncadd.s32 $0xFFFF6000  }
0x178: {  	[hbm4b:s30+s2] =	stream.linear.scatter [tilespmem:s5], [sflag:$0x5], $0xA000, $0x38;
	[tilespmem:$0x16980] =	vst v63  }
0x179: {  	_ =	swait.ge [sflag:s8], $0xA000  }
0x17a: {  	[sflag:s8] =	ssyncset.done $0x0  }
0x17b: {  	[sflag:s8] =	ssyncadd.s32 $0xFFFF6000  }
0x17c: {  	[tilespmem:s5], [sflag:$0x3] =	stream.indirect.gather [hbm4b:s9+s6], $0x80, s29, s6, $0xb8;
	[tilespmem:$0x16980] =	vst v63  }
0x17d: {  	_ =	swait.ge [sflag:s12], $0xA000  }
0x17e: {  	[sflag:s12] =	ssyncset.done $0x0  }
0x17f: {  	s31 =	rddreg [dreg:$0xa];
	[sflag:s12] =	ssyncadd.s32 $0xFFFF6000  }
0x180: {  	[hbm4b:s31+s2] =	stream.linear.scatter [tilespmem:s10], [sflag:$0x6], $0xA000, $0x38;
	[tilespmem:$0x16980] =	vst v63  }
0x181: {  	_ =	swait.ge [sflag:s7], $0xA000  }
0x182: {  	[sflag:s7] =	ssyncset.done $0x0  }
0x183: {  	[sflag:s7] =	ssyncadd.s32 $0xFFFF6000  }
0x184: {  	[tilespmem:s10], [sflag:$0x4] =	stream.indirect.gather [hbm4b:s9+s6], $0x80, s28, s6, $0xb8;
	[tilespmem:$0x16980] =	vst v63  }
0x185: {  	_ =	swait.ge [sflag:s13], $0xA000  }
0x186: {  	[sflag:s13] =	ssyncset.done $0x0  }
0x187: {  	s1 =	rddreg [dreg:$0xb];
	[sflag:s13] =	ssyncadd.s32 $0xFFFF6000  }
0x188: {  	[hbm4b:s1+s2] =	stream.linear.scatter [tilespmem:s5], [sflag:$0x5], $0xA000, $0x38;
	[tilespmem:$0x16980] =	vst v63  }
0x189: {  	_ =	swait.ge [sflag:s8], $0xA000  }
0x18a: {  	[sflag:s8] =	ssyncset.done $0x0  }
0x18b: {  	[sflag:s8] =	ssyncadd.s32 $0xFFFF6000  }
0x18c: {  	[tilespmem:s5], [sflag:$0x3] =	stream.indirect.gather [hbm4b:s9+s6], $0x80, s26, s6, $0xb8;
	[tilespmem:$0x16980] =	vst v63  }
0x18d: {  	_ =	swait.ge [sflag:s12], $0xA000  }
0x18e: {  	[sflag:s12] =	ssyncset.done $0x0  }
0x18f: {  	s26 =	rddreg [dreg:$0xc];
	[sflag:s12] =	ssyncadd.s32 $0xFFFF6000  }
0x190: {  	[hbm4b:s26+s2] =	stream.linear.scatter [tilespmem:s10], [sflag:$0x6], $0xA000, $0x38;
	[tilespmem:$0x16980] =	vst v63  }
0x191: {  	_ =	swait.ge [sflag:s7], $0xA000  }
0x192: {  	[sflag:s7] =	ssyncset.done $0x0  }
0x193: {  	[sflag:s7] =	ssyncadd.s32 $0xFFFF6000  }
0x194: {  	[tilespmem:s10], [sflag:$0x4] =	stream.indirect.gather [hbm4b:s9+s6], $0x80, s25, s6, $0xb8;
	[tilespmem:$0x16980] =	vst v63  }
0x195: {  	_ =	swait.ge [sflag:s13], $0xA000  }
0x196: {  	[sflag:s13] =	ssyncset.done $0x0  }
0x197: {  	s28 =	rddreg [dreg:$0xd];
	[sflag:s13] =	ssyncadd.s32 $0xFFFF6000  }
0x198: {  	[hbm4b:s28+s2] =	stream.linear.scatter [tilespmem:s5], [sflag:$0x5], $0xA000, $0x38;
	[tilespmem:$0x16980] =	vst v63  }
0x199: {  	_ =	swait.ge [sflag:s8], $0xA000  }
0x19a: {  	[sflag:s8] =	ssyncset.done $0x0  }
0x19b: {  	[sflag:s8] =	ssyncadd.s32 $0xFFFF6000  }
0x19c: {  	[tilespmem:s5], [sflag:$0x3] =	stream.indirect.gather [hbm4b:s9+s6], $0x80, s24, s6, $0xb8;
	[tilespmem:$0x16980] =	vst v63  }
0x19d: {  	_ =	swait.ge [sflag:s12], $0xA000  }
0x19e: {  	[sflag:s12] =	ssyncset.done $0x0  }
0x19f: {  	s29 =	rddreg [dreg:$0xe];
	[sflag:s12] =	ssyncadd.s32 $0xFFFF6000  }
0x1a0: {  	[hbm4b:s29+s2] =	stream.linear.scatter [tilespmem:s10], [sflag:$0x6], $0xA000, $0x38;
	[tilespmem:$0x16980] =	vst v63  }
0x1a1: {  	_ =	swait.ge [sflag:s7], $0xA000  }
0x1a2: {  	[sflag:s7] =	ssyncset.done $0x0  }
0x1a3: {  	[sflag:s7] =	ssyncadd.s32 $0xFFFF6000  }
0x1a4: {  	[tilespmem:s10], [sflag:$0x4] =	stream.indirect.gather [hbm4b:s9+s6], $0x80, s23, s6, $0xb8;
	[tilespmem:$0x16980] =	vst v63  }
0x1a5: {  	_ =	swait.ge [sflag:s13], $0xA000  }
0x1a6: {  	[sflag:s13] =	ssyncset.done $0x0  }
0x1a7: {  	s30 =	rddreg [dreg:$0xf];
	[sflag:s13] =	ssyncadd.s32 $0xFFFF6000  }
0x1a8: {  	[hbm4b:s30+s2] =	stream.linear.scatter [tilespmem:s5], [sflag:$0x5], $0xA000, $0x38;
	[tilespmem:$0x16980] =	vst v63  }
0x1a9: {  	_ =	swait.ge [sflag:s8], $0xA000  }
0x1aa: {  	[sflag:s8] =	ssyncset.done $0x0  }
0x1ab: {  	[sflag:s8] =	ssyncadd.s32 $0xFFFF6000  }
0x1ac: {  	[tilespmem:s5], [sflag:$0x3] =	stream.indirect.gather [hbm4b:s9+s6], $0x80, s22, s6, $0xb8;
	[tilespmem:$0x16980] =	vst v63  }
0x1ad: {  	_ =	swait.ge [sflag:s12], $0xA000  }
0x1ae: {  	[sflag:s12] =	ssyncset.done $0x0  }
0x1af: {  	s31 =	rddreg [dreg:$0x10];
	[sflag:s12] =	ssyncadd.s32 $0xFFFF6000  }
0x1b0: {  	[hbm4b:s31+s2] =	stream.linear.scatter [tilespmem:s10], [sflag:$0x6], $0xA000, $0x38;
	[tilespmem:$0x16980] =	vst v63  }
0x1b1: {  	_ =	swait.ge [sflag:s7], $0xA000  }
0x1b2: {  	[sflag:s7] =	ssyncset.done $0x0  }
0x1b3: {  	[sflag:s7] =	ssyncadd.s32 $0xFFFF6000  }
0x1b4: {  	[tilespmem:s10], [sflag:$0x4] =	stream.indirect.gather [hbm4b:s9+s6], $0x80, s21, s6, $0xb8;
	[tilespmem:$0x16980] =	vst v63  }
0x1b5: {  	_ =	swait.ge [sflag:s13], $0xA000  }
0x1b6: {  	[sflag:s13] =	ssyncset.done $0x0  }
0x1b7: {  	s1 =	rddreg [dreg:$0x11];
	[sflag:s13] =	ssyncadd.s32 $0xFFFF6000  }
0x1b8: {  	[hbm4b:s1+s2] =	stream.linear.scatter [tilespmem:s5], [sflag:$0x5], $0xA000, $0x38;
	[tilespmem:$0x16980] =	vst v63  }
0x1b9: {  	_ =	swait.ge [sflag:s8], $0xA000  }
0x1ba: {  	[sflag:s8] =	ssyncset.done $0x0  }
0x1bb: {  	[sflag:s8] =	ssyncadd.s32 $0xFFFF6000  }
0x1bc: {  	[tilespmem:s5], [sflag:$0x3] =	stream.indirect.gather [hbm4b:s9+s6], $0x80, s20, s6, $0xb8;
	[tilespmem:$0x16980] =	vst v63  }
0x1bd: {  	_ =	swait.ge [sflag:s12], $0xA000  }
0x1be: {  	[sflag:s12] =	ssyncset.done $0x0  }
0x1bf: {  	s21 =	rddreg [dreg:$0x12];
	[sflag:s12] =	ssyncadd.s32 $0xFFFF6000  }
0x1c0: {  	[hbm4b:s21+s2] =	stream.linear.scatter [tilespmem:s10], [sflag:$0x6], $0xA000, $0x38;
	[tilespmem:$0x16980] =	vst v63  }
0x1c1: {  	_ =	swait.ge [sflag:s7], $0xA000  }
0x1c2: {  	[sflag:s7] =	ssyncset.done $0x0  }
0x1c3: {  	[sflag:s7] =	ssyncadd.s32 $0xFFFF6000  }
0x1c4: {  	[tilespmem:s10], [sflag:$0x4] =	stream.indirect.gather [hbm4b:s9+s6], $0x80, s19, s6, $0xb8;
	[tilespmem:$0x16980] =	vst v63  }
0x1c5: {  	_ =	swait.ge [sflag:s13], $0xA000  }
0x1c6: {  	[sflag:s13] =	ssyncset.done $0x0  }
0x1c7: {  	s22 =	rddreg [dreg:$0x13];
	[sflag:s13] =	ssyncadd.s32 $0xFFFF6000  }
0x1c8: {  	[hbm4b:s22+s2] =	stream.linear.scatter [tilespmem:s5], [sflag:$0x5], $0xA000, $0x38;
	[tilespmem:$0x16980] =	vst v63  }
0x1c9: {  	_ =	swait.ge [sflag:s8], $0xA000  }
0x1ca: {  	[sflag:s8] =	ssyncset.done $0x0  }
0x1cb: {  	[sflag:s8] =	ssyncadd.s32 $0xFFFF6000  }
0x1cc: {  	[tilespmem:s5], [sflag:$0x3] =	stream.indirect.gather [hbm4b:s9+s6], $0x80, s18, s6, $0xb8;
	[tilespmem:$0x16980] =	vst v63  }
0x1cd: {  	_ =	swait.ge [sflag:s12], $0xA000  }
0x1ce: {  	[sflag:s12] =	ssyncset.done $0x0  }
0x1cf: {  	s23 =	rddreg [dreg:$0x14];
	[sflag:s12] =	ssyncadd.s32 $0xFFFF6000  }
0x1d0: {  	[hbm4b:s23+s2] =	stream.linear.scatter [tilespmem:s10], [sflag:$0x6], $0xA000, $0x38;
	[tilespmem:$0x16980] =	vst v63  }
0x1d1: {  	_ =	swait.ge [sflag:s7], $0xA000  }
0x1d2: {  	[sflag:s7] =	ssyncset.done $0x0  }
0x1d3: {  	s24 =	simm.s32 $0xC8;
	[sflag:s7] =	ssyncadd.s32 $0xFFFF6000  }
0x1d4: {  	[tilespmem:s10], [sflag:$0x4] =	stream.indirect.gather [hbm4b:s9+s24], $0x80, s17, s24, $0xb8;
	[tilespmem:$0x16980] =	vst v63  }
0x1d5: {  	_ =	swait.ge [sflag:s13], $0xA000  }
0x1d6: {  	[sflag:s13] =	ssyncset.done $0x0  }
0x1d7: {  	s25 =	rddreg [dreg:$0x15];
	[sflag:s13] =	ssyncadd.s32 $0xFFFF6000  }
0x1d8: {  	[hbm4b:s25+s2] =	stream.linear.scatter [tilespmem:s5], [sflag:$0x5], $0xA000, $0x38;
	[tilespmem:$0x16980] =	vst v63  }
0x1d9: {  	_ =	swait.ge [sflag:s12], $0x6400  }
0x1da: {  	[sflag:s12] =	ssyncset.done $0x0  }
0x1db: {  	s26 =	rddreg [dreg:$0x16];
	[sflag:s12] =	ssyncadd.s32 $0xFFFF9C00  }
0x1dc: {  	[hbm4b:s26+s2] =	stream.linear.scatter [tilespmem:s10], [sflag:$0x6], $0x6400, $0x38;
	[tilespmem:$0x16980] =	vst v63  }
0x1dd: {  	_ =	swait.ge [sflag:s8], $0xA000  }
0x1de: {  	[sflag:s8] =	ssyncset.done $0x0  }
0x1df: {  	[sflag:s8] =	ssyncadd.s32 $0xFFFF6000  }
0x1e0: {  	_ =	swait.ge [sflag:s7], $0x6400  }
0x1e1: {  	[sflag:s7] =	ssyncset.done $0x0  }
0x1e2: {  	s28 =	rddreg [dreg:$0x17];
	[sflag:s7] =	ssyncadd.s32 $0xFFFF9C00  }
0x1e3: {  	[tilespmem:s15], [sflag:$0x7] =	stream.linear.gather [hbm4b:s28+s2], $0x140, $0x38;
	[tilespmem:$0x16980] =	vst v63  }
0x1e4: {  	_ =	swait.ge [sflag:s3], $0x140  }
0x1e5: {  	[sflag:s3] =	ssyncset.done $0x0  }
0x1e6: {  	s29 =	rddreg [dreg:$0x4];
	[sflag:s3] =	ssyncadd.s32 $0xFFFFFEC0  }
0x1e7: {  	[tilespmem:s5], [sflag:$0x2] =	stream.indirect.gather [hbm4b:s29+s6], $0x80, s15, s6, $0xb8;
	[tilespmem:$0x16980] =	vst v63  }
0x1e8: {  	_ =	swait.ge [sflag:s14], $0xA000  }
0x1e9: {  	[sflag:s14] =	ssyncset.done $0x0  }
0x1ea: {  	s30 =	rddreg [dreg:$0x18];
	[sflag:s14] =	ssyncadd.s32 $0xFFFF6000  }
0x1eb: {  	[hbm4b:s30+s2] =	stream.linear.scatter [tilespmem:s5], [sflag:$0x7], $0xA000, $0x38;
	[tilespmem:$0x16980] =	vst v63  }
0x1ec: {  	_ =	swait.ge [sflag:s3], $0xA000  }
0x1ed: {  	[sflag:s3] =	ssyncset.done $0x0  }
0x1ee: {  	[sflag:s3] =	ssyncadd.s32 $0xFFFF6000  }
0x1ef: {  	_ =	swait.ge [sflag:s11], $0x1388  }
0x1f0: {  	[sflag:s11] =	ssyncset.done $0x0  }
0x1f1: {  	s31 =	rddreg [dreg:$0x19];
	[sflag:s11] =	ssyncadd.s32 $0xFFFFEC78  }
0x1f2: {  	[hbm4b:s31+s2] =	stream.linear.scatter [tilespmem:s4], [sflag:$0x7], $0x1388, $0x38;
	[tilespmem:$0x16980] =	vst v63  }
0x1f3: {  	_ =	swait.ge [sflag:s3], $0x1388  }
0x1f4: {  	[sflag:s3] =	ssyncset.done $0x0  }
0x1f5: {  	[sflag:s3] =	ssyncadd.s32 $0xFFFFEC78  }
0x1f6: {  	_ =	sfence.sel $0x180000  }
0x1f7: {  	[bflag:$0x0] =	sbarrier.arrive $0xFFFF  }
0x1f8: {  	_ =	strace $0x90000047  }
0x1f9: {  	[bflag:$0x2] =	sbarrier.arrive $0xFFFF  }
0x1fa: {  	p0 =	sne.s32 s16, $0x0;
	s0 =	rddreg [dreg:$0x3]  }
0x1fb: {  	s0 =	sadd.s32 @!p0 $0x100000, s0  }
0x1fc: {  	[sflag:s0] =	ssyncadd.tile.s32 @!p0 $0x1;
	_ =	shalt  }
.LBB2_2:
.Ltmp3:
0x1fd: {  	(pc) =	sbr.rel .LBB2_5-.Ltmp3, $2  }
0x1fe: {  	_ =	sdelay $0x2  }
0x1ff: {  	s16 =	stileid.u32  }
.Lfunc_end2:
_tile_overlayer_lowered:
.L_overlay_start_2:
0x200: {  	(tag) =	ssettag $0x2  }
0x201: {  	s0 =	rddreg [dreg:$0x0];
	s2 =	stileid.u32  }
0x202: {  	s1 =	rddreg [dreg:$0x1];
	p0 =	sne.s32 s2, $0x0  }
0x203: {  	s3 =	rddreg [dreg:$0x2];
	[bflag:$0x3] =	sbarrier.arrive $0xFFFF;
	s2 =	simm.s32 @!p0 $0x1C07  }
0x204: {  	[timem:s3], [sflag:s2] =	dma.local @!p0 [hbm:s0], s1  }
0x205: {  	s0 =	simm.s32 @!p0 $0x7  }
0x206: {  	_ =	swait.ge @!p0 [sflag:s0], s1  }
0x207: {  	s1 =	ssub.s32 @!p0 $0x0, s1;
	[sflag:s0] =	ssyncset.done @!p0 $0x0  }
0x208: {  	[sflag:s0] =	ssyncadd.s32 @!p0 s1  }
0x209: {  	[bflag:$0x3] =	sbarrier.arrive $0xFFFF  }
0x20a: {  	_ =	shalt  }

</sc_bundles>
